<compile_context>
chip_gen: v7x
topology: tpu7x:2x2x1
jax: 0.10.2.dev20260603
libtpu: 0.0.44.dev20260713+nightly
codegen_flags: <defaults>
</compile_context>

<pallas_src>
import functools

import jax
import jax.numpy as jnp
from jax import lax
from jax.experimental import pallas as pl
from jax.experimental.pallas import tpu as pltpu
from jax.experimental.pallas import tpu_sc as plsc

O = 10000
T = 320000
D = 128

NC = 2
NS = 16
NW = NC * NS
L = 16

EPW = T // NW
B = 80
NCHUNK = EPW // B
OP = 10240
RPT = OP // NS

_mesh = plsc.VectorSubcoreMesh(core_axis_name="c", subcore_axis_name="s")



@functools.partial(
    pl.kernel,
    out_type=jax.ShapeDtypeStruct((T, D), jnp.float32),
    mesh=_mesh,
    scratch_types=[
        pltpu.VMEM((B,), jnp.int32),
        pltpu.VMEM((B,), jnp.int32),
        pltpu.VMEM((B, D), jnp.float32),
        pltpu.VMEM((B, D), jnp.float32),
        pltpu.SemaphoreType.DMA,
        pltpu.SemaphoreType.DMA,
    ],
)
def _gather_add(ps_hbm, po_hbm, sidx_hbm, oidx_hbm, out_hbm,
                idx_s, idx_o, rows_a, rows_b, sem_a, sem_b):
    wid = lax.axis_index("s") * NC + lax.axis_index("c")
    base = wid * EPW

    def chunk(j, carry):
        off = base + j * B
        pltpu.sync_copy(sidx_hbm.at[pl.ds(off, B)], idx_s)
        pltpu.sync_copy(oidx_hbm.at[pl.ds(off, B)], idx_o)
        cp_a = pltpu.async_copy(ps_hbm.at[idx_s], rows_a, sem_a)
        cp_b = pltpu.async_copy(po_hbm.at[idx_o], rows_b, sem_b)
        cp_a.wait()
        cp_b.wait()

        def row(r, c2):
            for col in range(D // L):
                sl = pl.ds(col * L, L)
                rows_a[r, sl] = rows_a[r, sl] + rows_b[r, sl]
            return c2

        lax.fori_loop(0, B, row, 0)
        pltpu.sync_copy(rows_a, out_hbm.at[pl.ds(off, B)])
        return carry

    lax.fori_loop(0, NCHUNK, chunk, 0)



@functools.partial(
    pl.kernel,
    out_type=(jax.ShapeDtypeStruct((NC, OP, D), jnp.float32),
              jax.ShapeDtypeStruct((NC * OP,), jnp.float32)),
    mesh=_mesh,
    scratch_types=[
        pltpu.VMEM((B,), jnp.int32),
        pltpu.VMEM((B,), jnp.int32),
        pltpu.VMEM((B, D), jnp.float32),
        pltpu.VMEM((B, D), jnp.float32),
        pltpu.VMEM((B,), jnp.float32),
        pltpu.VMEM_SHARED((OP, D), jnp.float32),
        pltpu.VMEM_SHARED((OP,), jnp.float32),
    ],
)
def _scatter_pool(sval_hbm, oval_hbm, sidx_hbm, oidx_hbm,
                  pooled_hbm, cnt_hbm,
                  idx_s, idx_o, val_s, val_o, cnt_stage,
                  pooled_sp, cnt_sp):
    c = lax.axis_index("c")
    s = lax.axis_index("s")
    base = (c * NS + s) * EPW

    zero16 = jnp.zeros((L,), jnp.float32)
    ones16 = jnp.ones((L,), jnp.float32)

    def fill_z(r, carry):
        for col in range(D // L):
            val_s[r, pl.ds(col * L, L)] = zero16
        return carry

    lax.fori_loop(0, B, fill_z, 0)
    for q in range(B // L):
        cnt_stage[pl.ds(q * L, L)] = zero16

    for k in range(RPT // B):
        row0 = s * RPT + k * B
        pltpu.sync_copy(val_s, pooled_sp.at[pl.ds(row0, B)])
        pltpu.sync_copy(cnt_stage, cnt_sp.at[pl.ds(row0, B)])

    for q in range(B // L):
        cnt_stage[pl.ds(q * L, L)] = ones16
    plsc.subcore_barrier()

    def chunk(j, carry):
        off = base + j * B
        pltpu.sync_copy(sidx_hbm.at[pl.ds(off, B)], idx_s)
        pltpu.sync_copy(oidx_hbm.at[pl.ds(off, B)], idx_o)
        pltpu.sync_copy(sval_hbm.at[pl.ds(off, B)], val_s)
        pltpu.sync_copy(oval_hbm.at[pl.ds(off, B)], val_o)
        pltpu.sync_copy(val_s, pooled_sp.at[idx_s], add=True)
        pltpu.sync_copy(val_o, pooled_sp.at[idx_o], add=True)
        pltpu.sync_copy(cnt_stage, cnt_sp.at[idx_s], add=True)
        pltpu.sync_copy(cnt_stage, cnt_sp.at[idx_o], add=True)
        return carry

    lax.fori_loop(0, NCHUNK, chunk, 0)
    plsc.subcore_barrier()

    for k in range(RPT // B):
        row0 = s * RPT + k * B
        pltpu.sync_copy(pooled_sp.at[pl.ds(row0, B)], val_s)
        pltpu.sync_copy(val_s, pooled_hbm.at[c, pl.ds(row0, B)])
        pltpu.sync_copy(cnt_sp.at[pl.ds(row0, B)], cnt_stage)
        pltpu.sync_copy(cnt_stage, cnt_hbm.at[pl.ds(c * OP + row0, B)])



def _proj_body(obj_ref, ws_ref, wo_ref, ps_ref, po_ref):
    x = obj_ref[...]
    ps_ref[...] = jnp.dot(x, ws_ref[...], preferred_element_type=jnp.float32)
    po_ref[...] = jnp.dot(x, wo_ref[...], preferred_element_type=jnp.float32)


def _edge_mlp_body(e_ref, p_ref, w1ap_ref, b1a_ref, w1b_ref, b1b_ref,
                   s_ref, pout_ref, o_ref):
    x = (e_ref[...]
         + jnp.dot(p_ref[...], w1ap_ref[...],
                   preferred_element_type=jnp.float32)
         + b1a_ref[...])
    h1 = jnp.maximum(x, 0.0)
    u = jnp.dot(h1, w1b_ref[...], preferred_element_type=jnp.float32)
    u = jnp.maximum(u + b1b_ref[...], 0.0)
    s_ref[...] = u[:, :D]
    pout_ref[...] = u[:, D:2 * D]
    o_ref[...] = u[:, 2 * D:]


def _node_mlp_body(pp_ref, cnt_ref, w2a_ref, b2a_ref, w2b_ref, b2b_ref,
                   out_ref):
    pooled = pp_ref[0] + pp_ref[1]
    counts = cnt_ref[0] + cnt_ref[1]
    counts = jnp.clip(counts, 1.0, 1000.0)
    pooled = pooled / counts
    h2 = jnp.maximum(
        jnp.dot(pooled, w2a_ref[...], preferred_element_type=jnp.float32)
        + b2a_ref[...], 0.0)
    out_ref[...] = jnp.maximum(
        jnp.dot(h2, w2b_ref[...], preferred_element_type=jnp.float32)
        + b2b_ref[...], 0.0)


_EDGE_BLK = 2000
_NODE_BLK = 2000


def kernel(obj_vecs, predi_vecs, edges, W1a, b1a, W1b, b1b, W2a, b2a,
           W2b, b2b):
    s_idx = edges[:, 0].astype(jnp.int32)
    o_idx = edges[:, 1].astype(jnp.int32)

    W1a_s = W1a[:D]
    W1a_p = W1a[D:2 * D]
    W1a_o = W1a[2 * D:]

    ps, po = pl.pallas_call(
        _proj_body,
        out_shape=(jax.ShapeDtypeStruct((O, D), jnp.float32),
                   jax.ShapeDtypeStruct((O, D), jnp.float32)),
    )(obj_vecs, W1a_s, W1a_o)

    ebase = _gather_add(ps, po, s_idx, o_idx)

    grid = (T // _EDGE_BLK,)
    blk = pl.BlockSpec((_EDGE_BLK, D), lambda i: (i, 0))
    full = lambda a, b: pl.BlockSpec((a, b), lambda i: (0, 0))
    sval, new_p, oval = pl.pallas_call(
        _edge_mlp_body,
        grid=grid,
        in_specs=[blk, blk, full(D, D), full(1, D), full(D, 3 * D),
                  full(1, 3 * D)],
        out_specs=(blk, blk, blk),
        out_shape=(jax.ShapeDtypeStruct((T, D), jnp.float32),
                   jax.ShapeDtypeStruct((T, D), jnp.float32),
                   jax.ShapeDtypeStruct((T, D), jnp.float32)),
    )(ebase, predi_vecs, W1a_p, b1a.reshape(1, D), W1b,
      b1b.reshape(1, 3 * D))

    pooled_parts, cnt_flat = _scatter_pool(sval, oval, s_idx, o_idx)
    cnt_parts = cnt_flat.reshape(NC, OP, 1)

    ngrid = (O // _NODE_BLK,)
    new_obj = pl.pallas_call(
        _node_mlp_body,
        grid=ngrid,
        in_specs=[pl.BlockSpec((NC, _NODE_BLK, D), lambda i: (0, i, 0)),
                  pl.BlockSpec((NC, _NODE_BLK, 1), lambda i: (0, i, 0)),
                  full(D, D), full(1, D), full(D, D), full(1, D)],
        out_specs=pl.BlockSpec((_NODE_BLK, D), lambda i: (i, 0)),
        out_shape=jax.ShapeDtypeStruct((O, D), jnp.float32),
    )(pooled_parts, cnt_parts, W2a, b2a.reshape(1, D), W2b,
      b2b.reshape(1, D))

    return (new_obj, new_p)

# --- scband reference (transcript-rebuilt; emitter-appended) ---
"""Pipeline reference for scband-graph-triple-conv-layer-88923002896582 (READ-ONLY COPY).

The authoritative reference and input builder live on the scoring server;
editing this copy changes nothing except your own understanding.
"""

import jax, jax.numpy as jnp
import numpy as np

O = 10000
T = 320000
D_IN = 128
H = 128
D_OUT = 128

def setup_inputs(seed: int = 0) -> dict:
    key = jax.random.key(seed)
    ks = jax.random.split(key, 12)
    obj_vecs = jax.random.normal(ks[0], (O, D_IN), dtype=jnp.float32)
    predi_vecs = jax.random.normal(ks[1], (T, D_IN), dtype=jnp.float32)
    edges = jax.random.randint(ks[2], (T, 2), 0, O, dtype=jnp.int64 if jax.config.read('jax_enable_x64') else jnp.int32)
    d1_in = 3 * D_IN  # 384
    d1_out = 2 * H + D_OUT  # 384
    W1a = jax.random.normal(ks[3], (d1_in, H), dtype=jnp.float32) * (1.0 / np.sqrt(d1_in))
    b1a = jnp.zeros((H,), dtype=jnp.float32)
    W1b = jax.random.normal(ks[4], (H, d1_out), dtype=jnp.float32) * (1.0 / np.sqrt(H))
    b1b = jnp.zeros((d1_out,), dtype=jnp.float32)
    W2a = jax.random.normal(ks[5], (H, H), dtype=jnp.float32) * (1.0 / np.sqrt(H))
    b2a = jnp.zeros((H,), dtype=jnp.float32)
    W2b = jax.random.normal(ks[6], (H, D_OUT), dtype=jnp.float32) * (1.0 / np.sqrt(H))
    b2b = jnp.zeros((D_OUT,), dtype=jnp.float32)
    return {"obj_vecs": obj_vecs, "predi_vecs": predi_vecs, "edges": edges,
            "W1a": W1a, "b1a": b1a, "W1b": W1b, "b1b": b1b,
            "W2a": W2a, "b2a": b2a, "W2b": W2b, "b2b": b2b}

def reference(obj_vecs, predi_vecs, edges, W1a, b1a, W1b, b1b, W2a, b2a, W2b, b2b):
    s_idx = edges[:, 0]
    o_idx = edges[:, 1]
    cur_s_vecs = jnp.take(obj_vecs, s_idx, axis=0)
    cur_o_vecs = jnp.take(obj_vecs, o_idx, axis=0)
    cur_t_vecs = jnp.concatenate([cur_s_vecs, predi_vecs, cur_o_vecs], axis=1)
    # net1: Linear -> ReLU -> Linear -> ReLU (build_mlp final_nonlinearity=True)
    h1 = jax.nn.relu(cur_t_vecs @ W1a + b1a)
    new_t_vecs = jax.nn.relu(h1 @ W1b + b1b)
    new_s_vecs = new_t_vecs[:, :H]
    new_p_vecs = new_t_vecs[:, H:H + D_OUT]
    new_o_vecs = new_t_vecs[:, H + D_OUT:2 * H + D_OUT]
    pooled_obj_vecs = jnp.zeros((O, H), dtype=obj_vecs.dtype)
    pooled_obj_vecs = pooled_obj_vecs.at[s_idx].add(new_s_vecs)
    pooled_obj_vecs = pooled_obj_vecs.at[o_idx].add(new_o_vecs)
    # avg pooling
    ones = jnp.ones((edges.shape[0],), dtype=obj_vecs.dtype)
    obj_counts = jnp.zeros((O,), dtype=obj_vecs.dtype)
    obj_counts = obj_counts.at[s_idx].add(ones)
    obj_counts = obj_counts.at[o_idx].add(ones)
    obj_counts = jnp.clip(obj_counts, 1.0, 1000.0)
    pooled_obj_vecs = pooled_obj_vecs / obj_counts[:, None]
    # net2: Linear -> ReLU -> Linear -> ReLU
    h2 = jax.nn.relu(pooled_obj_vecs @ W2a + b2a)
    new_obj_vecs = jax.nn.relu(h2 @ W2b + b2b)
    return (new_obj_vecs, new_p_vecs)

if __name__ == "__main__":
    import jax
    _d = setup_inputs()
    print(jax.jit(kernel)(*tuple(_d.values())))

</pallas_src>

<mosaic_0001>
#map = affine_map<(d0, d1) -> (0, 0)>
#map1 = affine_map<(d0, d1) -> (0)>
#map2 = affine_map<(d0, d1) -> (0, 0, 0)>
module attributes {stable_mosaic.version = 14 : i64} {
  func.func @_scatter_pool(%arg0: i32, %arg1: i32, %arg2: memref<320000x128xf32, #tpu.memory_space<hbm>>, %arg3: memref<320000x128xf32, #tpu.memory_space<hbm>>, %arg4: memref<320000xi32, #tpu.memory_space<hbm>>, %arg5: memref<320000xi32, #tpu.memory_space<hbm>>, %arg6: memref<2x10240x128xf32, #tpu.memory_space<hbm>>, %arg7: memref<20480xf32, #tpu.memory_space<hbm>>, %arg8: memref<80xi32, #tpu.memory_space<vmem>>, %arg9: memref<80xi32, #tpu.memory_space<vmem>>, %arg10: memref<80x128xf32, #tpu.memory_space<vmem>>, %arg11: memref<80x128xf32, #tpu.memory_space<vmem>>, %arg12: memref<80xf32, #tpu.memory_space<vmem>>, %arg13: memref<10240x128xf32, #tpu.memory_space<vmem_shared>>, %arg14: memref<10240xf32, #tpu.memory_space<vmem_shared>>) attributes {dimension_semantics = [#tpu.dimension_semantics<core_parallel>, #tpu.dimension_semantics<subcore_parallel>], iteration_bounds = array<i64: 2, 16>, scalar_prefetch = 0 : i64, scratch_operands = 7 : i64, tpu.core_type = #tpu.core_type<sc_vector_subcore>, window_params = [{transform_indices = #map}, {transform_indices = #map}, {transform_indices = #map1}, {transform_indices = #map1}, {transform_indices = #map2}, {transform_indices = #map1}]} {
    %mul3A = arith.constant 16 : i32
    %mul3A_0 = arith.muli %arg0, %mul3A : i32
    %add3A = arith.addi %mul3A_0, %arg1 : i32
    %mul3A_1 = arith.constant 10000 : i32
    %mul3A_2 = arith.muli %add3A, %mul3A_1 : i32
    %broadcast_in_dim3A = arith.constant 0.000000e+00 : f32
    %broadcast_in_dim3A_3 = vector.broadcast %broadcast_in_dim3A : f32 to vector<16xf32>
    %broadcast_in_dim3A_4 = arith.constant 1.000000e+00 : f32
    %broadcast_in_dim3A_5 = vector.broadcast %broadcast_in_dim3A_4 : f32 to vector<16xf32>
    %scan3A = arith.constant 0 : i32
    %scan3A_6 = arith.constant 0 : i32
    %scan3A_7 = arith.constant 80 : i32
    %scan3A_8 = arith.addi %scan3A_6, %scan3A_7 : i32
    %scan3A_9 = arith.constant 1 : i32
    scf.for %scan3A_145 = %scan3A_6 to %scan3A_8 step %scan3A_9  : i32 {
      %swap3A_146 = arith.index_cast %scan3A_145 : i32 to index
      %swap3A_147 = arith.constant 0 : index
      %swap3A_148 = tpu.vector_load %arg10[%swap3A_146, %swap3A_147] {strides = array<i32>} : memref<80x128xf32, #tpu.memory_space<vmem>>, vector<1x16xf32>,
      %swap3A_149 = vector.shape_cast %swap3A_148 : vector<1x16xf32> to vector<16xf32>
      %swap3A_150 = vector.shape_cast %broadcast_in_dim3A_3 : vector<16xf32> to vector<1x16xf32>
      tpu.vector_store %arg10[%swap3A_146, %swap3A_147], %swap3A_150 {strides = array<i32>} : memref<80x128xf32, #tpu.memory_space<vmem>>, vector<1x16xf32>,
      %swap3A_151 = arith.index_cast %scan3A_145 : i32 to index
      %swap3A_152 = arith.constant 16 : index
      %swap3A_153 = tpu.vector_load %arg10[%swap3A_151, %swap3A_152] {strides = array<i32>} : memref<80x128xf32, #tpu.memory_space<vmem>>, vector<1x16xf32>,
      %swap3A_154 = vector.shape_cast %swap3A_153 : vector<1x16xf32> to vector<16xf32>
      %swap3A_155 = vector.shape_cast %broadcast_in_dim3A_3 : vector<16xf32> to vector<1x16xf32>
      tpu.vector_store %arg10[%swap3A_151, %swap3A_152], %swap3A_155 {strides = array<i32>} : memref<80x128xf32, #tpu.memory_space<vmem>>, vector<1x16xf32>,
      %swap3A_156 = arith.index_cast %scan3A_145 : i32 to index
      %swap3A_157 = arith.constant 32 : index
      %swap3A_158 = tpu.vector_load %arg10[%swap3A_156, %swap3A_157] {strides = array<i32>} : memref<80x128xf32, #tpu.memory_space<vmem>>, vector<1x16xf32>,
      %swap3A_159 = vector.shape_cast %swap3A_158 : vector<1x16xf32> to vector<16xf32>
      %swap3A_160 = vector.shape_cast %broadcast_in_dim3A_3 : vector<16xf32> to vector<1x16xf32>
      tpu.vector_store %arg10[%swap3A_156, %swap3A_157], %swap3A_160 {strides = array<i32>} : memref<80x128xf32, #tpu.memory_space<vmem>>, vector<1x16xf32>,
      %swap3A_161 = arith.index_cast %scan3A_145 : i32 to index
      %swap3A_162 = arith.constant 48 : index
      %swap3A_163 = tpu.vector_load %arg10[%swap3A_161, %swap3A_162] {strides = array<i32>} : memref<80x128xf32, #tpu.memory_space<vmem>>, vector<1x16xf32>,
      %swap3A_164 = vector.shape_cast %swap3A_163 : vector<1x16xf32> to vector<16xf32>
      %swap3A_165 = vector.shape_cast %broadcast_in_dim3A_3 : vector<16xf32> to vector<1x16xf32>
      tpu.vector_store %arg10[%swap3A_161, %swap3A_162], %swap3A_165 {strides = array<i32>} : memref<80x128xf32, #tpu.memory_space<vmem>>, vector<1x16xf32>,
      %swap3A_166 = arith.index_cast %scan3A_145 : i32 to index
      %swap3A_167 = arith.constant 64 : index
      %swap3A_168 = tpu.vector_load %arg10[%swap3A_166, %swap3A_167] {strides = array<i32>} : memref<80x128xf32, #tpu.memory_space<vmem>>, vector<1x16xf32>,
      %swap3A_169 = vector.shape_cast %swap3A_168 : vector<1x16xf32> to vector<16xf32>
      %swap3A_170 = vector.shape_cast %broadcast_in_dim3A_3 : vector<16xf32> to vector<1x16xf32>
      tpu.vector_store %arg10[%swap3A_166, %swap3A_167], %swap3A_170 {strides = array<i32>} : memref<80x128xf32, #tpu.memory_space<vmem>>, vector<1x16xf32>,
      %swap3A_171 = arith.index_cast %scan3A_145 : i32 to index
      %swap3A_172 = arith.constant 80 : index
      %swap3A_173 = tpu.vector_load %arg10[%swap3A_171, %swap3A_172] {strides = array<i32>} : memref<80x128xf32, #tpu.memory_space<vmem>>, vector<1x16xf32>,
      %swap3A_174 = vector.shape_cast %swap3A_173 : vector<1x16xf32> to vector<16xf32>
      %swap3A_175 = vector.shape_cast %broadcast_in_dim3A_3 : vector<16xf32> to vector<1x16xf32>
      tpu.vector_store %arg10[%swap3A_171, %swap3A_172], %swap3A_175 {strides = array<i32>} : memref<80x128xf32, #tpu.memory_space<vmem>>, vector<1x16xf32>,
      %swap3A_176 = arith.index_cast %scan3A_145 : i32 to index
      %swap3A_177 = arith.constant 96 : index
      %swap3A_178 = tpu.vector_load %arg10[%swap3A_176, %swap3A_177] {strides = array<i32>} : memref<80x128xf32, #tpu.memory_space<vmem>>, vector<1x16xf32>,
      %swap3A_179 = vector.shape_cast %swap3A_178 : vector<1x16xf32> to vector<16xf32>
      %swap3A_180 = vector.shape_cast %broadcast_in_dim3A_3 : vector<16xf32> to vector<1x16xf32>
      tpu.vector_store %arg10[%swap3A_176, %swap3A_177], %swap3A_180 {strides = array<i32>} : memref<80x128xf32, #tpu.memory_space<vmem>>, vector<1x16xf32>,
      %swap3A_181 = arith.index_cast %scan3A_145 : i32 to index
      %swap3A_182 = arith.constant 112 : index
      %swap3A_183 = tpu.vector_load %arg10[%swap3A_181, %swap3A_182] {strides = array<i32>} : memref<80x128xf32, #tpu.memory_space<vmem>>, vector<1x16xf32>,
      %swap3A_184 = vector.shape_cast %swap3A_183 : vector<1x16xf32> to vector<16xf32>
      %swap3A_185 = vector.shape_cast %broadcast_in_dim3A_3 : vector<16xf32> to vector<1x16xf32>
      tpu.vector_store %arg10[%swap3A_181, %swap3A_182], %swap3A_185 {strides = array<i32>} : memref<80x128xf32, #tpu.memory_space<vmem>>, vector<1x16xf32>,
    }
    %scan3A_10 = arith.constant 80 : i32
    %swap3A = arith.constant 0 : index
    %swap3A_11 = tpu.vector_load %arg12[%swap3A] {strides = array<i32>} : memref<80xf32, #tpu.memory_space<vmem>>, vector<16xf32>,
    %swap3A_12 = vector.shape_cast %swap3A_11 : vector<16xf32> to vector<16xf32>
    %swap3A_13 = vector.shape_cast %broadcast_in_dim3A_3 : vector<16xf32> to vector<16xf32>
    tpu.vector_store %arg12[%swap3A], %swap3A_13 {strides = array<i32>} : memref<80xf32, #tpu.memory_space<vmem>>, vector<16xf32>,
    %swap3A_14 = arith.constant 16 : index
    %swap3A_15 = tpu.vector_load %arg12[%swap3A_14] {strides = array<i32>} : memref<80xf32, #tpu.memory_space<vmem>>, vector<16xf32>,
    %swap3A_16 = vector.shape_cast %swap3A_15 : vector<16xf32> to vector<16xf32>
    %swap3A_17 = vector.shape_cast %broadcast_in_dim3A_3 : vector<16xf32> to vector<16xf32>
    tpu.vector_store %arg12[%swap3A_14], %swap3A_17 {strides = array<i32>} : memref<80xf32, #tpu.memory_space<vmem>>, vector<16xf32>,
    %swap3A_18 = arith.constant 32 : index
    %swap3A_19 = tpu.vector_load %arg12[%swap3A_18] {strides = array<i32>} : memref<80xf32, #tpu.memory_space<vmem>>, vector<16xf32>,
    %swap3A_20 = vector.shape_cast %swap3A_19 : vector<16xf32> to vector<16xf32>
    %swap3A_21 = vector.shape_cast %broadcast_in_dim3A_3 : vector<16xf32> to vector<16xf32>
    tpu.vector_store %arg12[%swap3A_18], %swap3A_21 {strides = array<i32>} : memref<80xf32, #tpu.memory_space<vmem>>, vector<16xf32>,
    %swap3A_22 = arith.constant 48 : index
    %swap3A_23 = tpu.vector_load %arg12[%swap3A_22] {strides = array<i32>} : memref<80xf32, #tpu.memory_space<vmem>>, vector<16xf32>,
    %swap3A_24 = vector.shape_cast %swap3A_23 : vector<16xf32> to vector<16xf32>
    %swap3A_25 = vector.shape_cast %broadcast_in_dim3A_3 : vector<16xf32> to vector<16xf32>
    tpu.vector_store %arg12[%swap3A_22], %swap3A_25 {strides = array<i32>} : memref<80xf32, #tpu.memory_space<vmem>>, vector<16xf32>,
    %swap3A_26 = arith.constant 64 : index
    %swap3A_27 = tpu.vector_load %arg12[%swap3A_26] {strides = array<i32>} : memref<80xf32, #tpu.memory_space<vmem>>, vector<16xf32>,
    %swap3A_28 = vector.shape_cast %swap3A_27 : vector<16xf32> to vector<16xf32>
    %swap3A_29 = vector.shape_cast %broadcast_in_dim3A_3 : vector<16xf32> to vector<16xf32>
    tpu.vector_store %arg12[%swap3A_26], %swap3A_29 {strides = array<i32>} : memref<80xf32, #tpu.memory_space<vmem>>, vector<16xf32>,
    %mul3A_30 = arith.constant 640 : i32
    %mul3A_31 = arith.muli %arg1, %mul3A_30 : i32
    %add3A_32 = arith.constant 0 : i32
    %add3A_33 = arith.addi %mul3A_31, %add3A_32 : i32
    "tpu.region"() ({
      %run_scoped3A = tpu.sem_alloc : memref<!tpu.dma_semaphore, #tpu.memory_space<semaphore_mem>>
      %dma_start3A = arith.constant 0 : i32
      %dma_start3A_145 = tpu.memref_slice %arg13[%add3A_33, %dma_start3A] : memref<10240x128xf32, #tpu.memory_space<vmem_shared>> -> memref<80x128xf32, #tpu.memory_space<vmem_shared>>
      %dma_start3A_146 = arith.constant 0 : i32
      %dma_start3A_147 = tpu.memref_slice %arg13[%add3A_33, %dma_start3A_146] : memref<10240x128xf32, #tpu.memory_space<vmem_shared>> -> memref<80x128xf32, #tpu.memory_space<vmem_shared>>
      tpu.enqueue_dma source(%arg10 : memref<80x128xf32, #tpu.memory_space<vmem>>) target(%dma_start3A_147 : memref<80x128xf32, #tpu.memory_space<vmem_shared>>) target_semaphore(%run_scoped3A : memref<!tpu.dma_semaphore, #tpu.memory_space<semaphore_mem>>)
      %dma_wait3A = arith.constant 0 : i32
      %dma_wait3A_148 = tpu.memref_slice %arg13[%add3A_33, %dma_wait3A] : memref<10240x128xf32, #tpu.memory_space<vmem_shared>> -> memref<80x128xf32, #tpu.memory_space<vmem_shared>>
      %dma_wait3A_149 = arith.constant 0 : i32
      %dma_wait3A_150 = tpu.memref_slice %arg13[%add3A_33, %dma_wait3A_149] : memref<10240x128xf32, #tpu.memory_space<vmem_shared>> -> memref<80x128xf32, #tpu.memory_space<vmem_shared>>
      tpu.wait_dma2 semaphore(%run_scoped3A : memref<!tpu.dma_semaphore, #tpu.memory_space<semaphore_mem>>) src(%arg10 : memref<80x128xf32, #tpu.memory_space<vmem>>) dst(%dma_wait3A_150 : memref<80x128xf32, #tpu.memory_space<vmem_shared>>)
      tpu.yield
    }) : () -> ()
    "tpu.region"() ({
      %run_scoped3A = tpu.sem_alloc : memref<!tpu.dma_semaphore, #tpu.memory_space<semaphore_mem>>
      %dma_start3A = tpu.memref_slice %arg14[%add3A_33] : memref<10240xf32, #tpu.memory_space<vmem_shared>> -> memref<80xf32, #tpu.memory_space<vmem_shared>>
      %dma_start3A_145 = tpu.memref_slice %arg14[%add3A_33] : memref<10240xf32, #tpu.memory_space<vmem_shared>> -> memref<80xf32, #tpu.memory_space<vmem_shared>>
      tpu.enqueue_dma source(%arg12 : memref<80xf32, #tpu.memory_space<vmem>>) target(%dma_start3A_145 : memref<80xf32, #tpu.memory_space<vmem_shared>>) target_semaphore(%run_scoped3A : memref<!tpu.dma_semaphore, #tpu.memory_space<semaphore_mem>>)
      %dma_wait3A = tpu.memref_slice %arg14[%add3A_33] : memref<10240xf32, #tpu.memory_space<vmem_shared>> -> memref<80xf32, #tpu.memory_space<vmem_shared>>
      %dma_wait3A_146 = tpu.memref_slice %arg14[%add3A_33] : memref<10240xf32, #tpu.memory_space<vmem_shared>> -> memref<80xf32, #tpu.memory_space<vmem_shared>>
      tpu.wait_dma2 semaphore(%run_scoped3A : memref<!tpu.dma_semaphore, #tpu.memory_space<semaphore_mem>>) src(%arg12 : memref<80xf32, #tpu.memory_space<vmem>>) dst(%dma_wait3A_146 : memref<80xf32, #tpu.memory_space<vmem_shared>>)
      tpu.yield
    }) : () -> ()
    %mul3A_34 = arith.constant 640 : i32
    %mul3A_35 = arith.muli %arg1, %mul3A_34 : i32
    %add3A_36 = arith.constant 80 : i32
    %add3A_37 = arith.addi %mul3A_35, %add3A_36 : i32
    "tpu.region"() ({
      %run_scoped3A = tpu.sem_alloc : memref<!tpu.dma_semaphore, #tpu.memory_space<semaphore_mem>>
      %dma_start3A = arith.constant 0 : i32
      %dma_start3A_145 = tpu.memref_slice %arg13[%add3A_37, %dma_start3A] : memref<10240x128xf32, #tpu.memory_space<vmem_shared>> -> memref<80x128xf32, #tpu.memory_space<vmem_shared>>
      %dma_start3A_146 = arith.constant 0 : i32
      %dma_start3A_147 = tpu.memref_slice %arg13[%add3A_37, %dma_start3A_146] : memref<10240x128xf32, #tpu.memory_space<vmem_shared>> -> memref<80x128xf32, #tpu.memory_space<vmem_shared>>
      tpu.enqueue_dma source(%arg10 : memref<80x128xf32, #tpu.memory_space<vmem>>) target(%dma_start3A_147 : memref<80x128xf32, #tpu.memory_space<vmem_shared>>) target_semaphore(%run_scoped3A : memref<!tpu.dma_semaphore, #tpu.memory_space<semaphore_mem>>)
      %dma_wait3A = arith.constant 0 : i32
      %dma_wait3A_148 = tpu.memref_slice %arg13[%add3A_37, %dma_wait3A] : memref<10240x128xf32, #tpu.memory_space<vmem_shared>> -> memref<80x128xf32, #tpu.memory_space<vmem_shared>>
      %dma_wait3A_149 = arith.constant 0 : i32
      %dma_wait3A_150 = tpu.memref_slice %arg13[%add3A_37, %dma_wait3A_149] : memref<10240x128xf32, #tpu.memory_space<vmem_shared>> -> memref<80x128xf32, #tpu.memory_space<vmem_shared>>
      tpu.wait_dma2 semaphore(%run_scoped3A : memref<!tpu.dma_semaphore, #tpu.memory_space<semaphore_mem>>) src(%arg10 : memref<80x128xf32, #tpu.memory_space<vmem>>) dst(%dma_wait3A_150 : memref<80x128xf32, #tpu.memory_space<vmem_shared>>)
      tpu.yield
    }) : () -> ()
    "tpu.region"() ({
      %run_scoped3A = tpu.sem_alloc : memref<!tpu.dma_semaphore, #tpu.memory_space<semaphore_mem>>
      %dma_start3A = tpu.memref_slice %arg14[%add3A_37] : memref<10240xf32, #tpu.memory_space<vmem_shared>> -> memref<80xf32, #tpu.memory_space<vmem_shared>>
      %dma_start3A_145 = tpu.memref_slice %arg14[%add3A_37] : memref<10240xf32, #tpu.memory_space<vmem_shared>> -> memref<80xf32, #tpu.memory_space<vmem_shared>>
      tpu.enqueue_dma source(%arg12 : memref<80xf32, #tpu.memory_space<vmem>>) target(%dma_start3A_145 : memref<80xf32, #tpu.memory_space<vmem_shared>>) target_semaphore(%run_scoped3A : memref<!tpu.dma_semaphore, #tpu.memory_space<semaphore_mem>>)
      %dma_wait3A = tpu.memref_slice %arg14[%add3A_37] : memref<10240xf32, #tpu.memory_space<vmem_shared>> -> memref<80xf32, #tpu.memory_space<vmem_shared>>
      %dma_wait3A_146 = tpu.memref_slice %arg14[%add3A_37] : memref<10240xf32, #tpu.memory_space<vmem_shared>> -> memref<80xf32, #tpu.memory_space<vmem_shared>>
      tpu.wait_dma2 semaphore(%run_scoped3A : memref<!tpu.dma_semaphore, #tpu.memory_space<semaphore_mem>>) src(%arg12 : memref<80xf32, #tpu.memory_space<vmem>>) dst(%dma_wait3A_146 : memref<80xf32, #tpu.memory_space<vmem_shared>>)
      tpu.yield
    }) : () -> ()
    %mul3A_38 = arith.constant 640 : i32
    %mul3A_39 = arith.muli %arg1, %mul3A_38 : i32
    %add3A_40 = arith.constant 160 : i32
    %add3A_41 = arith.addi %mul3A_39, %add3A_40 : i32
    "tpu.region"() ({
      %run_scoped3A = tpu.sem_alloc : memref<!tpu.dma_semaphore, #tpu.memory_space<semaphore_mem>>
      %dma_start3A = arith.constant 0 : i32
      %dma_start3A_145 = tpu.memref_slice %arg13[%add3A_41, %dma_start3A] : memref<10240x128xf32, #tpu.memory_space<vmem_shared>> -> memref<80x128xf32, #tpu.memory_space<vmem_shared>>
      %dma_start3A_146 = arith.constant 0 : i32
      %dma_start3A_147 = tpu.memref_slice %arg13[%add3A_41, %dma_start3A_146] : memref<10240x128xf32, #tpu.memory_space<vmem_shared>> -> memref<80x128xf32, #tpu.memory_space<vmem_shared>>
      tpu.enqueue_dma source(%arg10 : memref<80x128xf32, #tpu.memory_space<vmem>>) target(%dma_start3A_147 : memref<80x128xf32, #tpu.memory_space<vmem_shared>>) target_semaphore(%run_scoped3A : memref<!tpu.dma_semaphore, #tpu.memory_space<semaphore_mem>>)
      %dma_wait3A = arith.constant 0 : i32
      %dma_wait3A_148 = tpu.memref_slice %arg13[%add3A_41, %dma_wait3A] : memref<10240x128xf32, #tpu.memory_space<vmem_shared>> -> memref<80x128xf32, #tpu.memory_space<vmem_shared>>
      %dma_wait3A_149 = arith.constant 0 : i32
      %dma_wait3A_150 = tpu.memref_slice %arg13[%add3A_41, %dma_wait3A_149] : memref<10240x128xf32, #tpu.memory_space<vmem_shared>> -> memref<80x128xf32, #tpu.memory_space<vmem_shared>>
      tpu.wait_dma2 semaphore(%run_scoped3A : memref<!tpu.dma_semaphore, #tpu.memory_space<semaphore_mem>>) src(%arg10 : memref<80x128xf32, #tpu.memory_space<vmem>>) dst(%dma_wait3A_150 : memref<80x128xf32, #tpu.memory_space<vmem_shared>>)
      tpu.yield
    }) : () -> ()
    "tpu.region"() ({
      %run_scoped3A = tpu.sem_alloc : memref<!tpu.dma_semaphore, #tpu.memory_space<semaphore_mem>>
      %dma_start3A = tpu.memref_slice %arg14[%add3A_41] : memref<10240xf32, #tpu.memory_space<vmem_shared>> -> memref<80xf32, #tpu.memory_space<vmem_shared>>
      %dma_start3A_145 = tpu.memref_slice %arg14[%add3A_41] : memref<10240xf32, #tpu.memory_space<vmem_shared>> -> memref<80xf32, #tpu.memory_space<vmem_shared>>
      tpu.enqueue_dma source(%arg12 : memref<80xf32, #tpu.memory_space<vmem>>) target(%dma_start3A_145 : memref<80xf32, #tpu.memory_space<vmem_shared>>) target_semaphore(%run_scoped3A : memref<!tpu.dma_semaphore, #tpu.memory_space<semaphore_mem>>)
      %dma_wait3A = tpu.memref_slice %arg14[%add3A_41] : memref<10240xf32, #tpu.memory_space<vmem_shared>> -> memref<80xf32, #tpu.memory_space<vmem_shared>>
      %dma_wait3A_146 = tpu.memref_slice %arg14[%add3A_41] : memref<10240xf32, #tpu.memory_space<vmem_shared>> -> memref<80xf32, #tpu.memory_space<vmem_shared>>
      tpu.wait_dma2 semaphore(%run_scoped3A : memref<!tpu.dma_semaphore, #tpu.memory_space<semaphore_mem>>) src(%arg12 : memref<80xf32, #tpu.memory_space<vmem>>) dst(%dma_wait3A_146 : memref<80xf32, #tpu.memory_space<vmem_shared>>)
      tpu.yield
    }) : () -> ()
    %mul3A_42 = arith.constant 640 : i32
    %mul3A_43 = arith.muli %arg1, %mul3A_42 : i32
    %add3A_44 = arith.constant 240 : i32
    %add3A_45 = arith.addi %mul3A_43, %add3A_44 : i32
    "tpu.region"() ({
      %run_scoped3A = tpu.sem_alloc : memref<!tpu.dma_semaphore, #tpu.memory_space<semaphore_mem>>
      %dma_start3A = arith.constant 0 : i32
      %dma_start3A_145 = tpu.memref_slice %arg13[%add3A_45, %dma_start3A] : memref<10240x128xf32, #tpu.memory_space<vmem_shared>> -> memref<80x128xf32, #tpu.memory_space<vmem_shared>>
      %dma_start3A_146 = arith.constant 0 : i32
      %dma_start3A_147 = tpu.memref_slice %arg13[%add3A_45, %dma_start3A_146] : memref<10240x128xf32, #tpu.memory_space<vmem_shared>> -> memref<80x128xf32, #tpu.memory_space<vmem_shared>>
      tpu.enqueue_dma source(%arg10 : memref<80x128xf32, #tpu.memory_space<vmem>>) target(%dma_start3A_147 : memref<80x128xf32, #tpu.memory_space<vmem_shared>>) target_semaphore(%run_scoped3A : memref<!tpu.dma_semaphore, #tpu.memory_space<semaphore_mem>>)
      %dma_wait3A = arith.constant 0 : i32
      %dma_wait3A_148 = tpu.memref_slice %arg13[%add3A_45, %dma_wait3A] : memref<10240x128xf32, #tpu.memory_space<vmem_shared>> -> memref<80x128xf32, #tpu.memory_space<vmem_shared>>
      %dma_wait3A_149 = arith.constant 0 : i32
      %dma_wait3A_150 = tpu.memref_slice %arg13[%add3A_45, %dma_wait3A_149] : memref<10240x128xf32, #tpu.memory_space<vmem_shared>> -> memref<80x128xf32, #tpu.memory_space<vmem_shared>>
      tpu.wait_dma2 semaphore(%run_scoped3A : memref<!tpu.dma_semaphore, #tpu.memory_space<semaphore_mem>>) src(%arg10 : memref<80x128xf32, #tpu.memory_space<vmem>>) dst(%dma_wait3A_150 : memref<80x128xf32, #tpu.memory_space<vmem_shared>>)
      tpu.yield
    }) : () -> ()
    "tpu.region"() ({
      %run_scoped3A = tpu.sem_alloc : memref<!tpu.dma_semaphore, #tpu.memory_space<semaphore_mem>>
      %dma_start3A = tpu.memref_slice %arg14[%add3A_45] : memref<10240xf32, #tpu.memory_space<vmem_shared>> -> memref<80xf32, #tpu.memory_space<vmem_shared>>
      %dma_start3A_145 = tpu.memref_slice %arg14[%add3A_45] : memref<10240xf32, #tpu.memory_space<vmem_shared>> -> memref<80xf32, #tpu.memory_space<vmem_shared>>
      tpu.enqueue_dma source(%arg12 : memref<80xf32, #tpu.memory_space<vmem>>) target(%dma_start3A_145 : memref<80xf32, #tpu.memory_space<vmem_shared>>) target_semaphore(%run_scoped3A : memref<!tpu.dma_semaphore, #tpu.memory_space<semaphore_mem>>)
      %dma_wait3A = tpu.memref_slice %arg14[%add3A_45] : memref<10240xf32, #tpu.memory_space<vmem_shared>> -> memref<80xf32, #tpu.memory_space<vmem_shared>>
      %dma_wait3A_146 = tpu.memref_slice %arg14[%add3A_45] : memref<10240xf32, #tpu.memory_space<vmem_shared>> -> memref<80xf32, #tpu.memory_space<vmem_shared>>
      tpu.wait_dma2 semaphore(%run_scoped3A : memref<!tpu.dma_semaphore, #tpu.memory_space<semaphore_mem>>) src(%arg12 : memref<80xf32, #tpu.memory_space<vmem>>) dst(%dma_wait3A_146 : memref<80xf32, #tpu.memory_space<vmem_shared>>)
      tpu.yield
    }) : () -> ()
    %mul3A_46 = arith.constant 640 : i32
    %mul3A_47 = arith.muli %arg1, %mul3A_46 : i32
    %add3A_48 = arith.constant 320 : i32
    %add3A_49 = arith.addi %mul3A_47, %add3A_48 : i32
    "tpu.region"() ({
      %run_scoped3A = tpu.sem_alloc : memref<!tpu.dma_semaphore, #tpu.memory_space<semaphore_mem>>
      %dma_start3A = arith.constant 0 : i32
      %dma_start3A_145 = tpu.memref_slice %arg13[%add3A_49, %dma_start3A] : memref<10240x128xf32, #tpu.memory_space<vmem_shared>> -> memref<80x128xf32, #tpu.memory_space<vmem_shared>>
      %dma_start3A_146 = arith.constant 0 : i32
      %dma_start3A_147 = tpu.memref_slice %arg13[%add3A_49, %dma_start3A_146] : memref<10240x128xf32, #tpu.memory_space<vmem_shared>> -> memref<80x128xf32, #tpu.memory_space<vmem_shared>>
      tpu.enqueue_dma source(%arg10 : memref<80x128xf32, #tpu.memory_space<vmem>>) target(%dma_start3A_147 : memref<80x128xf32, #tpu.memory_space<vmem_shared>>) target_semaphore(%run_scoped3A : memref<!tpu.dma_semaphore, #tpu.memory_space<semaphore_mem>>)
      %dma_wait3A = arith.constant 0 : i32
      %dma_wait3A_148 = tpu.memref_slice %arg13[%add3A_49, %dma_wait3A] : memref<10240x128xf32, #tpu.memory_space<vmem_shared>> -> memref<80x128xf32, #tpu.memory_space<vmem_shared>>
      %dma_wait3A_149 = arith.constant 0 : i32
      %dma_wait3A_150 = tpu.memref_slice %arg13[%add3A_49, %dma_wait3A_149] : memref<10240x128xf32, #tpu.memory_space<vmem_shared>> -> memref<80x128xf32, #tpu.memory_space<vmem_shared>>
      tpu.wait_dma2 semaphore(%run_scoped3A : memref<!tpu.dma_semaphore, #tpu.memory_space<semaphore_mem>>) src(%arg10 : memref<80x128xf32, #tpu.memory_space<vmem>>) dst(%dma_wait3A_150 : memref<80x128xf32, #tpu.memory_space<vmem_shared>>)
      tpu.yield
    }) : () -> ()
    "tpu.region"() ({
      %run_scoped3A = tpu.sem_alloc : memref<!tpu.dma_semaphore, #tpu.memory_space<semaphore_mem>>
      %dma_start3A = tpu.memref_slice %arg14[%add3A_49] : memref<10240xf32, #tpu.memory_space<vmem_shared>> -> memref<80xf32, #tpu.memory_space<vmem_shared>>
      %dma_start3A_145 = tpu.memref_slice %arg14[%add3A_49] : memref<10240xf32, #tpu.memory_space<vmem_shared>> -> memref<80xf32, #tpu.memory_space<vmem_shared>>
      tpu.enqueue_dma source(%arg12 : memref<80xf32, #tpu.memory_space<vmem>>) target(%dma_start3A_145 : memref<80xf32, #tpu.memory_space<vmem_shared>>) target_semaphore(%run_scoped3A : memref<!tpu.dma_semaphore, #tpu.memory_space<semaphore_mem>>)
      %dma_wait3A = tpu.memref_slice %arg14[%add3A_49] : memref<10240xf32, #tpu.memory_space<vmem_shared>> -> memref<80xf32, #tpu.memory_space<vmem_shared>>
      %dma_wait3A_146 = tpu.memref_slice %arg14[%add3A_49] : memref<10240xf32, #tpu.memory_space<vmem_shared>> -> memref<80xf32, #tpu.memory_space<vmem_shared>>
      tpu.wait_dma2 semaphore(%run_scoped3A : memref<!tpu.dma_semaphore, #tpu.memory_space<semaphore_mem>>) src(%arg12 : memref<80xf32, #tpu.memory_space<vmem>>) dst(%dma_wait3A_146 : memref<80xf32, #tpu.memory_space<vmem_shared>>)
      tpu.yield
    }) : () -> ()
    %mul3A_50 = arith.constant 640 : i32
    %mul3A_51 = arith.muli %arg1, %mul3A_50 : i32
    %add3A_52 = arith.constant 400 : i32
    %add3A_53 = arith.addi %mul3A_51, %add3A_52 : i32
    "tpu.region"() ({
      %run_scoped3A = tpu.sem_alloc : memref<!tpu.dma_semaphore, #tpu.memory_space<semaphore_mem>>
      %dma_start3A = arith.constant 0 : i32
      %dma_start3A_145 = tpu.memref_slice %arg13[%add3A_53, %dma_start3A] : memref<10240x128xf32, #tpu.memory_space<vmem_shared>> -> memref<80x128xf32, #tpu.memory_space<vmem_shared>>
      %dma_start3A_146 = arith.constant 0 : i32
      %dma_start3A_147 = tpu.memref_slice %arg13[%add3A_53, %dma_start3A_146] : memref<10240x128xf32, #tpu.memory_space<vmem_shared>> -> memref<80x128xf32, #tpu.memory_space<vmem_shared>>
      tpu.enqueue_dma source(%arg10 : memref<80x128xf32, #tpu.memory_space<vmem>>) target(%dma_start3A_147 : memref<80x128xf32, #tpu.memory_space<vmem_shared>>) target_semaphore(%run_scoped3A : memref<!tpu.dma_semaphore, #tpu.memory_space<semaphore_mem>>)
      %dma_wait3A = arith.constant 0 : i32
      %dma_wait3A_148 = tpu.memref_slice %arg13[%add3A_53, %dma_wait3A] : memref<10240x128xf32, #tpu.memory_space<vmem_shared>> -> memref<80x128xf32, #tpu.memory_space<vmem_shared>>
      %dma_wait3A_149 = arith.constant 0 : i32
      %dma_wait3A_150 = tpu.memref_slice %arg13[%add3A_53, %dma_wait3A_149] : memref<10240x128xf32, #tpu.memory_space<vmem_shared>> -> memref<80x128xf32, #tpu.memory_space<vmem_shared>>
      tpu.wait_dma2 semaphore(%run_scoped3A : memref<!tpu.dma_semaphore, #tpu.memory_space<semaphore_mem>>) src(%arg10 : memref<80x128xf32, #tpu.memory_space<vmem>>) dst(%dma_wait3A_150 : memref<80x128xf32, #tpu.memory_space<vmem_shared>>)
      tpu.yield
    }) : () -> ()
    "tpu.region"() ({
      %run_scoped3A = tpu.sem_alloc : memref<!tpu.dma_semaphore, #tpu.memory_space<semaphore_mem>>
      %dma_start3A = tpu.memref_slice %arg14[%add3A_53] : memref<10240xf32, #tpu.memory_space<vmem_shared>> -> memref<80xf32, #tpu.memory_space<vmem_shared>>
      %dma_start3A_145 = tpu.memref_slice %arg14[%add3A_53] : memref<10240xf32, #tpu.memory_space<vmem_shared>> -> memref<80xf32, #tpu.memory_space<vmem_shared>>
      tpu.enqueue_dma source(%arg12 : memref<80xf32, #tpu.memory_space<vmem>>) target(%dma_start3A_145 : memref<80xf32, #tpu.memory_space<vmem_shared>>) target_semaphore(%run_scoped3A : memref<!tpu.dma_semaphore, #tpu.memory_space<semaphore_mem>>)
      %dma_wait3A = tpu.memref_slice %arg14[%add3A_53] : memref<10240xf32, #tpu.memory_space<vmem_shared>> -> memref<80xf32, #tpu.memory_space<vmem_shared>>
      %dma_wait3A_146 = tpu.memref_slice %arg14[%add3A_53] : memref<10240xf32, #tpu.memory_space<vmem_shared>> -> memref<80xf32, #tpu.memory_space<vmem_shared>>
      tpu.wait_dma2 semaphore(%run_scoped3A : memref<!tpu.dma_semaphore, #tpu.memory_space<semaphore_mem>>) src(%arg12 : memref<80xf32, #tpu.memory_space<vmem>>) dst(%dma_wait3A_146 : memref<80xf32, #tpu.memory_space<vmem_shared>>)
      tpu.yield
    }) : () -> ()
    %mul3A_54 = arith.constant 640 : i32
    %mul3A_55 = arith.muli %arg1, %mul3A_54 : i32
    %add3A_56 = arith.constant 480 : i32
    %add3A_57 = arith.addi %mul3A_55, %add3A_56 : i32
    "tpu.region"() ({
      %run_scoped3A = tpu.sem_alloc : memref<!tpu.dma_semaphore, #tpu.memory_space<semaphore_mem>>
      %dma_start3A = arith.constant 0 : i32
      %dma_start3A_145 = tpu.memref_slice %arg13[%add3A_57, %dma_start3A] : memref<10240x128xf32, #tpu.memory_space<vmem_shared>> -> memref<80x128xf32, #tpu.memory_space<vmem_shared>>
      %dma_start3A_146 = arith.constant 0 : i32
      %dma_start3A_147 = tpu.memref_slice %arg13[%add3A_57, %dma_start3A_146] : memref<10240x128xf32, #tpu.memory_space<vmem_shared>> -> memref<80x128xf32, #tpu.memory_space<vmem_shared>>
      tpu.enqueue_dma source(%arg10 : memref<80x128xf32, #tpu.memory_space<vmem>>) target(%dma_start3A_147 : memref<80x128xf32, #tpu.memory_space<vmem_shared>>) target_semaphore(%run_scoped3A : memref<!tpu.dma_semaphore, #tpu.memory_space<semaphore_mem>>)
      %dma_wait3A = arith.constant 0 : i32
      %dma_wait3A_148 = tpu.memref_slice %arg13[%add3A_57, %dma_wait3A] : memref<10240x128xf32, #tpu.memory_space<vmem_shared>> -> memref<80x128xf32, #tpu.memory_space<vmem_shared>>
      %dma_wait3A_149 = arith.constant 0 : i32
      %dma_wait3A_150 = tpu.memref_slice %arg13[%add3A_57, %dma_wait3A_149] : memref<10240x128xf32, #tpu.memory_space<vmem_shared>> -> memref<80x128xf32, #tpu.memory_space<vmem_shared>>
      tpu.wait_dma2 semaphore(%run_scoped3A : memref<!tpu.dma_semaphore, #tpu.memory_space<semaphore_mem>>) src(%arg10 : memref<80x128xf32, #tpu.memory_space<vmem>>) dst(%dma_wait3A_150 : memref<80x128xf32, #tpu.memory_space<vmem_shared>>)
      tpu.yield
    }) : () -> ()
    "tpu.region"() ({
      %run_scoped3A = tpu.sem_alloc : memref<!tpu.dma_semaphore, #tpu.memory_space<semaphore_mem>>
      %dma_start3A = tpu.memref_slice %arg14[%add3A_57] : memref<10240xf32, #tpu.memory_space<vmem_shared>> -> memref<80xf32, #tpu.memory_space<vmem_shared>>
      %dma_start3A_145 = tpu.memref_slice %arg14[%add3A_57] : memref<10240xf32, #tpu.memory_space<vmem_shared>> -> memref<80xf32, #tpu.memory_space<vmem_shared>>
      tpu.enqueue_dma source(%arg12 : memref<80xf32, #tpu.memory_space<vmem>>) target(%dma_start3A_145 : memref<80xf32, #tpu.memory_space<vmem_shared>>) target_semaphore(%run_scoped3A : memref<!tpu.dma_semaphore, #tpu.memory_space<semaphore_mem>>)
      %dma_wait3A = tpu.memref_slice %arg14[%add3A_57] : memref<10240xf32, #tpu.memory_space<vmem_shared>> -> memref<80xf32, #tpu.memory_space<vmem_shared>>
      %dma_wait3A_146 = tpu.memref_slice %arg14[%add3A_57] : memref<10240xf32, #tpu.memory_space<vmem_shared>> -> memref<80xf32, #tpu.memory_space<vmem_shared>>
      tpu.wait_dma2 semaphore(%run_scoped3A : memref<!tpu.dma_semaphore, #tpu.memory_space<semaphore_mem>>) src(%arg12 : memref<80xf32, #tpu.memory_space<vmem>>) dst(%dma_wait3A_146 : memref<80xf32, #tpu.memory_space<vmem_shared>>)
      tpu.yield
    }) : () -> ()
    %mul3A_58 = arith.constant 640 : i32
    %mul3A_59 = arith.muli %arg1, %mul3A_58 : i32
    %add3A_60 = arith.constant 560 : i32
    %add3A_61 = arith.addi %mul3A_59, %add3A_60 : i32
    "tpu.region"() ({
      %run_scoped3A = tpu.sem_alloc : memref<!tpu.dma_semaphore, #tpu.memory_space<semaphore_mem>>
      %dma_start3A = arith.constant 0 : i32
      %dma_start3A_145 = tpu.memref_slice %arg13[%add3A_61, %dma_start3A] : memref<10240x128xf32, #tpu.memory_space<vmem_shared>> -> memref<80x128xf32, #tpu.memory_space<vmem_shared>>
      %dma_start3A_146 = arith.constant 0 : i32
      %dma_start3A_147 = tpu.memref_slice %arg13[%add3A_61, %dma_start3A_146] : memref<10240x128xf32, #tpu.memory_space<vmem_shared>> -> memref<80x128xf32, #tpu.memory_space<vmem_shared>>
      tpu.enqueue_dma source(%arg10 : memref<80x128xf32, #tpu.memory_space<vmem>>) target(%dma_start3A_147 : memref<80x128xf32, #tpu.memory_space<vmem_shared>>) target_semaphore(%run_scoped3A : memref<!tpu.dma_semaphore, #tpu.memory_space<semaphore_mem>>)
      %dma_wait3A = arith.constant 0 : i32
      %dma_wait3A_148 = tpu.memref_slice %arg13[%add3A_61, %dma_wait3A] : memref<10240x128xf32, #tpu.memory_space<vmem_shared>> -> memref<80x128xf32, #tpu.memory_space<vmem_shared>>
      %dma_wait3A_149 = arith.constant 0 : i32
      %dma_wait3A_150 = tpu.memref_slice %arg13[%add3A_61, %dma_wait3A_149] : memref<10240x128xf32, #tpu.memory_space<vmem_shared>> -> memref<80x128xf32, #tpu.memory_space<vmem_shared>>
      tpu.wait_dma2 semaphore(%run_scoped3A : memref<!tpu.dma_semaphore, #tpu.memory_space<semaphore_mem>>) src(%arg10 : memref<80x128xf32, #tpu.memory_space<vmem>>) dst(%dma_wait3A_150 : memref<80x128xf32, #tpu.memory_space<vmem_shared>>)
      tpu.yield
    }) : () -> ()
    "tpu.region"() ({
      %run_scoped3A = tpu.sem_alloc : memref<!tpu.dma_semaphore, #tpu.memory_space<semaphore_mem>>
      %dma_start3A = tpu.memref_slice %arg14[%add3A_61] : memref<10240xf32, #tpu.memory_space<vmem_shared>> -> memref<80xf32, #tpu.memory_space<vmem_shared>>
      %dma_start3A_145 = tpu.memref_slice %arg14[%add3A_61] : memref<10240xf32, #tpu.memory_space<vmem_shared>> -> memref<80xf32, #tpu.memory_space<vmem_shared>>
      tpu.enqueue_dma source(%arg12 : memref<80xf32, #tpu.memory_space<vmem>>) target(%dma_start3A_145 : memref<80xf32, #tpu.memory_space<vmem_shared>>) target_semaphore(%run_scoped3A : memref<!tpu.dma_semaphore, #tpu.memory_space<semaphore_mem>>)
      %dma_wait3A = tpu.memref_slice %arg14[%add3A_61] : memref<10240xf32, #tpu.memory_space<vmem_shared>> -> memref<80xf32, #tpu.memory_space<vmem_shared>>
      %dma_wait3A_146 = tpu.memref_slice %arg14[%add3A_61] : memref<10240xf32, #tpu.memory_space<vmem_shared>> -> memref<80xf32, #tpu.memory_space<vmem_shared>>
      tpu.wait_dma2 semaphore(%run_scoped3A : memref<!tpu.dma_semaphore, #tpu.memory_space<semaphore_mem>>) src(%arg12 : memref<80xf32, #tpu.memory_space<vmem>>) dst(%dma_wait3A_146 : memref<80xf32, #tpu.memory_space<vmem_shared>>)
      tpu.yield
    }) : () -> ()
    %swap3A_62 = arith.constant 0 : index
    %swap3A_63 = tpu.vector_load %arg12[%swap3A_62] {strides = array<i32>} : memref<80xf32, #tpu.memory_space<vmem>>, vector<16xf32>,
    %swap3A_64 = vector.shape_cast %swap3A_63 : vector<16xf32> to vector<16xf32>
    %swap3A_65 = vector.shape_cast %broadcast_in_dim3A_5 : vector<16xf32> to vector<16xf32>
    tpu.vector_store %arg12[%swap3A_62], %swap3A_65 {strides = array<i32>} : memref<80xf32, #tpu.memory_space<vmem>>, vector<16xf32>,
    %swap3A_66 = arith.constant 16 : index
    %swap3A_67 = tpu.vector_load %arg12[%swap3A_66] {strides = array<i32>} : memref<80xf32, #tpu.memory_space<vmem>>, vector<16xf32>,
    %swap3A_68 = vector.shape_cast %swap3A_67 : vector<16xf32> to vector<16xf32>
    %swap3A_69 = vector.shape_cast %broadcast_in_dim3A_5 : vector<16xf32> to vector<16xf32>
    tpu.vector_store %arg12[%swap3A_66], %swap3A_69 {strides = array<i32>} : memref<80xf32, #tpu.memory_space<vmem>>, vector<16xf32>,
    %swap3A_70 = arith.constant 32 : index
    %swap3A_71 = tpu.vector_load %arg12[%swap3A_70] {strides = array<i32>} : memref<80xf32, #tpu.memory_space<vmem>>, vector<16xf32>,
    %swap3A_72 = vector.shape_cast %swap3A_71 : vector<16xf32> to vector<16xf32>
    %swap3A_73 = vector.shape_cast %broadcast_in_dim3A_5 : vector<16xf32> to vector<16xf32>
    tpu.vector_store %arg12[%swap3A_70], %swap3A_73 {strides = array<i32>} : memref<80xf32, #tpu.memory_space<vmem>>, vector<16xf32>,
    %swap3A_74 = arith.constant 48 : index
    %swap3A_75 = tpu.vector_load %arg12[%swap3A_74] {strides = array<i32>} : memref<80xf32, #tpu.memory_space<vmem>>, vector<16xf32>,
    %swap3A_76 = vector.shape_cast %swap3A_75 : vector<16xf32> to vector<16xf32>
    %swap3A_77 = vector.shape_cast %broadcast_in_dim3A_5 : vector<16xf32> to vector<16xf32>
    tpu.vector_store %arg12[%swap3A_74], %swap3A_77 {strides = array<i32>} : memref<80xf32, #tpu.memory_space<vmem>>, vector<16xf32>,
    %swap3A_78 = arith.constant 64 : index
    %swap3A_79 = tpu.vector_load %arg12[%swap3A_78] {strides = array<i32>} : memref<80xf32, #tpu.memory_space<vmem>>, vector<16xf32>,
    %swap3A_80 = vector.shape_cast %swap3A_79 : vector<16xf32> to vector<16xf32>
    %swap3A_81 = vector.shape_cast %broadcast_in_dim3A_5 : vector<16xf32> to vector<16xf32>
    tpu.vector_store %arg12[%swap3A_78], %swap3A_81 {strides = array<i32>} : memref<80xf32, #tpu.memory_space<vmem>>, vector<16xf32>,
    %barrier3A = arith.constant 0 : index
    tpu.barrier barrier_id(%barrier3A)
    %scan3A_82 = arith.constant 0 : i32
    %scan3A_83 = arith.constant 0 : i32
    %scan3A_84 = arith.constant 125 : i32
    %scan3A_85 = arith.addi %scan3A_83, %scan3A_84 : i32
    %scan3A_86 = arith.constant 1 : i32
    scf.for %scan3A_145 = %scan3A_83 to %scan3A_85 step %scan3A_86  : i32 {
      %mul3A_146 = arith.constant 80 : i32
      %mul3A_147 = arith.muli %scan3A_145, %mul3A_146 : i32
      %add3A_148 = arith.addi %mul3A_2, %mul3A_147 : i32
      "tpu.region"() ({
        %run_scoped3A = tpu.sem_alloc : memref<!tpu.dma_semaphore, #tpu.memory_space<semaphore_mem>>
        %dma_start3A = tpu.memref_slice %arg4[%add3A_148] : memref<320000xi32, #tpu.memory_space<hbm>> -> memref<80xi32, #tpu.memory_space<hbm>>
        %dma_start3A_149 = tpu.memref_slice %arg4[%add3A_148] : memref<320000xi32, #tpu.memory_space<hbm>> -> memref<80xi32, #tpu.memory_space<hbm>>
        tpu.enqueue_dma source(%dma_start3A_149 : memref<80xi32, #tpu.memory_space<hbm>>) target(%arg8 : memref<80xi32, #tpu.memory_space<vmem>>) target_semaphore(%run_scoped3A : memref<!tpu.dma_semaphore, #tpu.memory_space<semaphore_mem>>)
        %dma_wait3A = tpu.memref_slice %arg4[%add3A_148] : memref<320000xi32, #tpu.memory_space<hbm>> -> memref<80xi32, #tpu.memory_space<hbm>>
        %dma_wait3A_150 = tpu.memref_slice %arg4[%add3A_148] : memref<320000xi32, #tpu.memory_space<hbm>> -> memref<80xi32, #tpu.memory_space<hbm>>
        tpu.wait_dma2 semaphore(%run_scoped3A : memref<!tpu.dma_semaphore, #tpu.memory_space<semaphore_mem>>) src(%dma_wait3A_150 : memref<80xi32, #tpu.memory_space<hbm>>) dst(%arg8 : memref<80xi32, #tpu.memory_space<vmem>>)
        tpu.yield
      }) : () -> ()
      "tpu.region"() ({
        %run_scoped3A = tpu.sem_alloc : memref<!tpu.dma_semaphore, #tpu.memory_space<semaphore_mem>>
        %dma_start3A = tpu.memref_slice %arg5[%add3A_148] : memref<320000xi32, #tpu.memory_space<hbm>> -> memref<80xi32, #tpu.memory_space<hbm>>
        %dma_start3A_149 = tpu.memref_slice %arg5[%add3A_148] : memref<320000xi32, #tpu.memory_space<hbm>> -> memref<80xi32, #tpu.memory_space<hbm>>
        tpu.enqueue_dma source(%dma_start3A_149 : memref<80xi32, #tpu.memory_space<hbm>>) target(%arg9 : memref<80xi32, #tpu.memory_space<vmem>>) target_semaphore(%run_scoped3A : memref<!tpu.dma_semaphore, #tpu.memory_space<semaphore_mem>>)
        %dma_wait3A = tpu.memref_slice %arg5[%add3A_148] : memref<320000xi32, #tpu.memory_space<hbm>> -> memref<80xi32, #tpu.memory_space<hbm>>
        %dma_wait3A_150 = tpu.memref_slice %arg5[%add3A_148] : memref<320000xi32, #tpu.memory_space<hbm>> -> memref<80xi32, #tpu.memory_space<hbm>>
        tpu.wait_dma2 semaphore(%run_scoped3A : memref<!tpu.dma_semaphore, #tpu.memory_space<semaphore_mem>>) src(%dma_wait3A_150 : memref<80xi32, #tpu.memory_space<hbm>>) dst(%arg9 : memref<80xi32, #tpu.memory_space<vmem>>)
        tpu.yield
      }) : () -> ()
      "tpu.region"() ({
        %run_scoped3A = tpu.sem_alloc : memref<!tpu.dma_semaphore, #tpu.memory_space<semaphore_mem>>
        %dma_start3A = arith.constant 0 : i32
        %dma_start3A_149 = tpu.memref_slice %arg2[%add3A_148, %dma_start3A] : memref<320000x128xf32, #tpu.memory_space<hbm>> -> memref<80x128xf32, #tpu.memory_space<hbm>>
        %dma_start3A_150 = arith.constant 0 : i32
        %dma_start3A_151 = tpu.memref_slice %arg2[%add3A_148, %dma_start3A_150] : memref<320000x128xf32, #tpu.memory_space<hbm>> -> memref<80x128xf32, #tpu.memory_space<hbm>>
        tpu.enqueue_dma source(%dma_start3A_151 : memref<80x128xf32, #tpu.memory_space<hbm>>) target(%arg10 : memref<80x128xf32, #tpu.memory_space<vmem>>) target_semaphore(%run_scoped3A : memref<!tpu.dma_semaphore, #tpu.memory_space<semaphore_mem>>)
        %dma_wait3A = arith.constant 0 : i32
        %dma_wait3A_152 = tpu.memref_slice %arg2[%add3A_148, %dma_wait3A] : memref<320000x128xf32, #tpu.memory_space<hbm>> -> memref<80x128xf32, #tpu.memory_space<hbm>>
        %dma_wait3A_153 = arith.constant 0 : i32
        %dma_wait3A_154 = tpu.memref_slice %arg2[%add3A_148, %dma_wait3A_153] : memref<320000x128xf32, #tpu.memory_space<hbm>> -> memref<80x128xf32, #tpu.memory_space<hbm>>
        tpu.wait_dma2 semaphore(%run_scoped3A : memref<!tpu.dma_semaphore, #tpu.memory_space<semaphore_mem>>) src(%dma_wait3A_154 : memref<80x128xf32, #tpu.memory_space<hbm>>) dst(%arg10 : memref<80x128xf32, #tpu.memory_space<vmem>>)
        tpu.yield
      }) : () -> ()
      "tpu.region"() ({
        %run_scoped3A = tpu.sem_alloc : memref<!tpu.dma_semaphore, #tpu.memory_space<semaphore_mem>>
        %dma_start3A = arith.constant 0 : i32
        %dma_start3A_149 = tpu.memref_slice %arg3[%add3A_148, %dma_start3A] : memref<320000x128xf32, #tpu.memory_space<hbm>> -> memref<80x128xf32, #tpu.memory_space<hbm>>
        %dma_start3A_150 = arith.constant 0 : i32
        %dma_start3A_151 = tpu.memref_slice %arg3[%add3A_148, %dma_start3A_150] : memref<320000x128xf32, #tpu.memory_space<hbm>> -> memref<80x128xf32, #tpu.memory_space<hbm>>
        tpu.enqueue_dma source(%dma_start3A_151 : memref<80x128xf32, #tpu.memory_space<hbm>>) target(%arg11 : memref<80x128xf32, #tpu.memory_space<vmem>>) target_semaphore(%run_scoped3A : memref<!tpu.dma_semaphore, #tpu.memory_space<semaphore_mem>>)
        %dma_wait3A = arith.constant 0 : i32
        %dma_wait3A_152 = tpu.memref_slice %arg3[%add3A_148, %dma_wait3A] : memref<320000x128xf32, #tpu.memory_space<hbm>> -> memref<80x128xf32, #tpu.memory_space<hbm>>
        %dma_wait3A_153 = arith.constant 0 : i32
        %dma_wait3A_154 = tpu.memref_slice %arg3[%add3A_148, %dma_wait3A_153] : memref<320000x128xf32, #tpu.memory_space<hbm>> -> memref<80x128xf32, #tpu.memory_space<hbm>>
        tpu.wait_dma2 semaphore(%run_scoped3A : memref<!tpu.dma_semaphore, #tpu.memory_space<semaphore_mem>>) src(%dma_wait3A_154 : memref<80x128xf32, #tpu.memory_space<hbm>>) dst(%arg11 : memref<80x128xf32, #tpu.memory_space<vmem>>)
        tpu.yield
      }) : () -> ()
      "tpu.region"() ({
        %run_scoped3A = tpu.sem_alloc : memref<!tpu.dma_semaphore, #tpu.memory_space<semaphore_mem>>
        %dma_start3A = arith.constant 0 : i32
        %dma_start3A_149 = arith.constant 0 : i32
        %dma_start3A_150 = tpu.memref_slice %arg13[%dma_start3A, %dma_start3A_149] : memref<10240x128xf32, #tpu.memory_space<vmem_shared>> -> memref<10240x128xf32, #tpu.memory_space<vmem_shared>>
        tpu.enqueue_indirect_dma source(%arg10 : memref<80x128xf32, #tpu.memory_space<vmem>>) target(%dma_start3A_150 : memref<10240x128xf32, #tpu.memory_space<vmem_shared>>) offsets(%arg8 : memref<80xi32, #tpu.memory_space<vmem>>) semaphore(%run_scoped3A : memref<!tpu.dma_semaphore, #tpu.memory_space<semaphore_mem>>) {add = true}
        %dma_wait3A = arith.constant 0 : i32
        %dma_wait3A_151 = arith.constant 0 : i32
        %dma_wait3A_152 = tpu.memref_slice %arg13[%dma_wait3A, %dma_wait3A_151] : memref<10240x128xf32, #tpu.memory_space<vmem_shared>> -> memref<10240x128xf32, #tpu.memory_space<vmem_shared>>
        tpu.wait_indirect_dma semaphore(%run_scoped3A : memref<!tpu.dma_semaphore, #tpu.memory_space<semaphore_mem>>) src(%arg10 : memref<80x128xf32, #tpu.memory_space<vmem>>) dst(%dma_wait3A_152 : memref<10240x128xf32, #tpu.memory_space<vmem_shared>>)
        tpu.yield
      }) : () -> ()
      "tpu.region"() ({
        %run_scoped3A = tpu.sem_alloc : memref<!tpu.dma_semaphore, #tpu.memory_space<semaphore_mem>>
        %dma_start3A = arith.constant 0 : i32
        %dma_start3A_149 = arith.constant 0 : i32
        %dma_start3A_150 = tpu.memref_slice %arg13[%dma_start3A, %dma_start3A_149] : memref<10240x128xf32, #tpu.memory_space<vmem_shared>> -> memref<10240x128xf32, #tpu.memory_space<vmem_shared>>
        tpu.enqueue_indirect_dma source(%arg11 : memref<80x128xf32, #tpu.memory_space<vmem>>) target(%dma_start3A_150 : memref<10240x128xf32, #tpu.memory_space<vmem_shared>>) offsets(%arg9 : memref<80xi32, #tpu.memory_space<vmem>>) semaphore(%run_scoped3A : memref<!tpu.dma_semaphore, #tpu.memory_space<semaphore_mem>>) {add = true}
        %dma_wait3A = arith.constant 0 : i32
        %dma_wait3A_151 = arith.constant 0 : i32
        %dma_wait3A_152 = tpu.memref_slice %arg13[%dma_wait3A, %dma_wait3A_151] : memref<10240x128xf32, #tpu.memory_space<vmem_shared>> -> memref<10240x128xf32, #tpu.memory_space<vmem_shared>>
        tpu.wait_indirect_dma semaphore(%run_scoped3A : memref<!tpu.dma_semaphore, #tpu.memory_space<semaphore_mem>>) src(%arg11 : memref<80x128xf32, #tpu.memory_space<vmem>>) dst(%dma_wait3A_152 : memref<10240x128xf32, #tpu.memory_space<vmem_shared>>)
        tpu.yield
      }) : () -> ()
      "tpu.region"() ({
        %run_scoped3A = tpu.sem_alloc : memref<!tpu.dma_semaphore, #tpu.memory_space<semaphore_mem>>
        %dma_start3A = arith.constant 0 : i32
        %dma_start3A_149 = tpu.memref_slice %arg14[%dma_start3A] : memref<10240xf32, #tpu.memory_space<vmem_shared>> -> memref<10240xf32, #tpu.memory_space<vmem_shared>>
        tpu.enqueue_indirect_dma source(%arg12 : memref<80xf32, #tpu.memory_space<vmem>>) target(%dma_start3A_149 : memref<10240xf32, #tpu.memory_space<vmem_shared>>) offsets(%arg8 : memref<80xi32, #tpu.memory_space<vmem>>) semaphore(%run_scoped3A : memref<!tpu.dma_semaphore, #tpu.memory_space<semaphore_mem>>) {add = true}
        %dma_wait3A = arith.constant 0 : i32
        %dma_wait3A_150 = tpu.memref_slice %arg14[%dma_wait3A] : memref<10240xf32, #tpu.memory_space<vmem_shared>> -> memref<10240xf32, #tpu.memory_space<vmem_shared>>
        tpu.wait_indirect_dma semaphore(%run_scoped3A : memref<!tpu.dma_semaphore, #tpu.memory_space<semaphore_mem>>) src(%arg12 : memref<80xf32, #tpu.memory_space<vmem>>) dst(%dma_wait3A_150 : memref<10240xf32, #tpu.memory_space<vmem_shared>>)
        tpu.yield
      }) : () -> ()
      "tpu.region"() ({
        %run_scoped3A = tpu.sem_alloc : memref<!tpu.dma_semaphore, #tpu.memory_space<semaphore_mem>>
        %dma_start3A = arith.constant 0 : i32
        %dma_start3A_149 = tpu.memref_slice %arg14[%dma_start3A] : memref<10240xf32, #tpu.memory_space<vmem_shared>> -> memref<10240xf32, #tpu.memory_space<vmem_shared>>
        tpu.enqueue_indirect_dma source(%arg12 : memref<80xf32, #tpu.memory_space<vmem>>) target(%dma_start3A_149 : memref<10240xf32, #tpu.memory_space<vmem_shared>>) offsets(%arg9 : memref<80xi32, #tpu.memory_space<vmem>>) semaphore(%run_scoped3A : memref<!tpu.dma_semaphore, #tpu.memory_space<semaphore_mem>>) {add = true}
        %dma_wait3A = arith.constant 0 : i32
        %dma_wait3A_150 = tpu.memref_slice %arg14[%dma_wait3A] : memref<10240xf32, #tpu.memory_space<vmem_shared>> -> memref<10240xf32, #tpu.memory_space<vmem_shared>>
        tpu.wait_indirect_dma semaphore(%run_scoped3A : memref<!tpu.dma_semaphore, #tpu.memory_space<semaphore_mem>>) src(%arg12 : memref<80xf32, #tpu.memory_space<vmem>>) dst(%dma_wait3A_150 : memref<10240xf32, #tpu.memory_space<vmem_shared>>)
        tpu.yield
      }) : () -> ()
    }
    %scan3A_87 = arith.constant 125 : i32
    %barrier3A_88 = arith.constant 0 : index
    tpu.barrier barrier_id(%barrier3A_88)
    %mul3A_89 = arith.constant 640 : i32
    %mul3A_90 = arith.muli %arg1, %mul3A_89 : i32
    %add3A_91 = arith.constant 0 : i32
    %add3A_92 = arith.addi %mul3A_90, %add3A_91 : i32
    "tpu.region"() ({
      %run_scoped3A = tpu.sem_alloc : memref<!tpu.dma_semaphore, #tpu.memory_space<semaphore_mem>>
      %dma_start3A = arith.constant 0 : i32
      %dma_start3A_145 = tpu.memref_slice %arg13[%add3A_92, %dma_start3A] : memref<10240x128xf32, #tpu.memory_space<vmem_shared>> -> memref<80x128xf32, #tpu.memory_space<vmem_shared>>
      %dma_start3A_146 = arith.constant 0 : i32
      %dma_start3A_147 = tpu.memref_slice %arg13[%add3A_92, %dma_start3A_146] : memref<10240x128xf32, #tpu.memory_space<vmem_shared>> -> memref<80x128xf32, #tpu.memory_space<vmem_shared>>
      tpu.enqueue_dma source(%dma_start3A_147 : memref<80x128xf32, #tpu.memory_space<vmem_shared>>) target(%arg10 : memref<80x128xf32, #tpu.memory_space<vmem>>) target_semaphore(%run_scoped3A : memref<!tpu.dma_semaphore, #tpu.memory_space<semaphore_mem>>)
      %dma_wait3A = arith.constant 0 : i32
      %dma_wait3A_148 = tpu.memref_slice %arg13[%add3A_92, %dma_wait3A] : memref<10240x128xf32, #tpu.memory_space<vmem_shared>> -> memref<80x128xf32, #tpu.memory_space<vmem_shared>>
      %dma_wait3A_149 = arith.constant 0 : i32
      %dma_wait3A_150 = tpu.memref_slice %arg13[%add3A_92, %dma_wait3A_149] : memref<10240x128xf32, #tpu.memory_space<vmem_shared>> -> memref<80x128xf32, #tpu.memory_space<vmem_shared>>
      tpu.wait_dma2 semaphore(%run_scoped3A : memref<!tpu.dma_semaphore, #tpu.memory_space<semaphore_mem>>) src(%dma_wait3A_150 : memref<80x128xf32, #tpu.memory_space<vmem_shared>>) dst(%arg10 : memref<80x128xf32, #tpu.memory_space<vmem>>)
      tpu.yield
    }) : () -> ()
    "tpu.region"() ({
      %run_scoped3A = tpu.sem_alloc : memref<!tpu.dma_semaphore, #tpu.memory_space<semaphore_mem>>
      %dma_start3A = arith.constant 0 : i32
      %dma_start3A_145 = tpu.memref_slice %arg6[%arg0, %add3A_92, %dma_start3A] : memref<2x10240x128xf32, #tpu.memory_space<hbm>> -> memref<1x80x128xf32, #tpu.memory_space<hbm>>
      %dma_start3A_146 = tpu.memref_squeeze %dma_start3A_145 : memref<1x80x128xf32, #tpu.memory_space<hbm>> -> memref<80x128xf32, #tpu.memory_space<hbm>>
      %dma_start3A_147 = arith.constant 0 : i32
      %dma_start3A_148 = tpu.memref_slice %arg6[%arg0, %add3A_92, %dma_start3A_147] : memref<2x10240x128xf32, #tpu.memory_space<hbm>> -> memref<1x80x128xf32, #tpu.memory_space<hbm>>
      %dma_start3A_149 = tpu.memref_squeeze %dma_start3A_148 : memref<1x80x128xf32, #tpu.memory_space<hbm>> -> memref<80x128xf32, #tpu.memory_space<hbm>>
      tpu.enqueue_dma source(%arg10 : memref<80x128xf32, #tpu.memory_space<vmem>>) target(%dma_start3A_149 : memref<80x128xf32, #tpu.memory_space<hbm>>) target_semaphore(%run_scoped3A : memref<!tpu.dma_semaphore, #tpu.memory_space<semaphore_mem>>)
      %dma_wait3A = arith.constant 0 : i32
      %dma_wait3A_150 = tpu.memref_slice %arg6[%arg0, %add3A_92, %dma_wait3A] : memref<2x10240x128xf32, #tpu.memory_space<hbm>> -> memref<1x80x128xf32, #tpu.memory_space<hbm>>
      %dma_wait3A_151 = tpu.memref_squeeze %dma_wait3A_150 : memref<1x80x128xf32, #tpu.memory_space<hbm>> -> memref<80x128xf32, #tpu.memory_space<hbm>>
      %dma_wait3A_152 = arith.constant 0 : i32
      %dma_wait3A_153 = tpu.memref_slice %arg6[%arg0, %add3A_92, %dma_wait3A_152] : memref<2x10240x128xf32, #tpu.memory_space<hbm>> -> memref<1x80x128xf32, #tpu.memory_space<hbm>>
      %dma_wait3A_154 = tpu.memref_squeeze %dma_wait3A_153 : memref<1x80x128xf32, #tpu.memory_space<hbm>> -> memref<80x128xf32, #tpu.memory_space<hbm>>
      tpu.wait_dma2 semaphore(%run_scoped3A : memref<!tpu.dma_semaphore, #tpu.memory_space<semaphore_mem>>) src(%arg10 : memref<80x128xf32, #tpu.memory_space<vmem>>) dst(%dma_wait3A_154 : memref<80x128xf32, #tpu.memory_space<hbm>>)
      tpu.yield
    }) : () -> ()
    "tpu.region"() ({
      %run_scoped3A = tpu.sem_alloc : memref<!tpu.dma_semaphore, #tpu.memory_space<semaphore_mem>>
      %dma_start3A = tpu.memref_slice %arg14[%add3A_92] : memref<10240xf32, #tpu.memory_space<vmem_shared>> -> memref<80xf32, #tpu.memory_space<vmem_shared>>
      %dma_start3A_145 = tpu.memref_slice %arg14[%add3A_92] : memref<10240xf32, #tpu.memory_space<vmem_shared>> -> memref<80xf32, #tpu.memory_space<vmem_shared>>
      tpu.enqueue_dma source(%dma_start3A_145 : memref<80xf32, #tpu.memory_space<vmem_shared>>) target(%arg12 : memref<80xf32, #tpu.memory_space<vmem>>) target_semaphore(%run_scoped3A : memref<!tpu.dma_semaphore, #tpu.memory_space<semaphore_mem>>)
      %dma_wait3A = tpu.memref_slice %arg14[%add3A_92] : memref<10240xf32, #tpu.memory_space<vmem_shared>> -> memref<80xf32, #tpu.memory_space<vmem_shared>>
      %dma_wait3A_146 = tpu.memref_slice %arg14[%add3A_92] : memref<10240xf32, #tpu.memory_space<vmem_shared>> -> memref<80xf32, #tpu.memory_space<vmem_shared>>
      tpu.wait_dma2 semaphore(%run_scoped3A : memref<!tpu.dma_semaphore, #tpu.memory_space<semaphore_mem>>) src(%dma_wait3A_146 : memref<80xf32, #tpu.memory_space<vmem_shared>>) dst(%arg12 : memref<80xf32, #tpu.memory_space<vmem>>)
      tpu.yield
    }) : () -> ()
    %mul3A_93 = arith.constant 10240 : i32
    %mul3A_94 = arith.muli %arg0, %mul3A_93 : i32
    %add3A_95 = arith.addi %mul3A_94, %add3A_92 : i32
    "tpu.region"() ({
      %run_scoped3A = tpu.sem_alloc : memref<!tpu.dma_semaphore, #tpu.memory_space<semaphore_mem>>
      %dma_start3A = tpu.memref_slice %arg7[%add3A_95] : memref<20480xf32, #tpu.memory_space<hbm>> -> memref<80xf32, #tpu.memory_space<hbm>>
      %dma_start3A_145 = tpu.memref_slice %arg7[%add3A_95] : memref<20480xf32, #tpu.memory_space<hbm>> -> memref<80xf32, #tpu.memory_space<hbm>>
      tpu.enqueue_dma source(%arg12 : memref<80xf32, #tpu.memory_space<vmem>>) target(%dma_start3A_145 : memref<80xf32, #tpu.memory_space<hbm>>) target_semaphore(%run_scoped3A : memref<!tpu.dma_semaphore, #tpu.memory_space<semaphore_mem>>)
      %dma_wait3A = tpu.memref_slice %arg7[%add3A_95] : memref<20480xf32, #tpu.memory_space<hbm>> -> memref<80xf32, #tpu.memory_space<hbm>>
      %dma_wait3A_146 = tpu.memref_slice %arg7[%add3A_95] : memref<20480xf32, #tpu.memory_space<hbm>> -> memref<80xf32, #tpu.memory_space<hbm>>
      tpu.wait_dma2 semaphore(%run_scoped3A : memref<!tpu.dma_semaphore, #tpu.memory_space<semaphore_mem>>) src(%arg12 : memref<80xf32, #tpu.memory_space<vmem>>) dst(%dma_wait3A_146 : memref<80xf32, #tpu.memory_space<hbm>>)
      tpu.yield
    }) : () -> ()
    %mul3A_96 = arith.constant 640 : i32
    %mul3A_97 = arith.muli %arg1, %mul3A_96 : i32
    %add3A_98 = arith.constant 80 : i32
    %add3A_99 = arith.addi %mul3A_97, %add3A_98 : i32
    "tpu.region"() ({
      %run_scoped3A = tpu.sem_alloc : memref<!tpu.dma_semaphore, #tpu.memory_space<semaphore_mem>>
      %dma_start3A = arith.constant 0 : i32
      %dma_start3A_145 = tpu.memref_slice %arg13[%add3A_99, %dma_start3A] : memref<10240x128xf32, #tpu.memory_space<vmem_shared>> -> memref<80x128xf32, #tpu.memory_space<vmem_shared>>
      %dma_start3A_146 = arith.constant 0 : i32
      %dma_start3A_147 = tpu.memref_slice %arg13[%add3A_99, %dma_start3A_146] : memref<10240x128xf32, #tpu.memory_space<vmem_shared>> -> memref<80x128xf32, #tpu.memory_space<vmem_shared>>
      tpu.enqueue_dma source(%dma_start3A_147 : memref<80x128xf32, #tpu.memory_space<vmem_shared>>) target(%arg10 : memref<80x128xf32, #tpu.memory_space<vmem>>) target_semaphore(%run_scoped3A : memref<!tpu.dma_semaphore, #tpu.memory_space<semaphore_mem>>)
      %dma_wait3A = arith.constant 0 : i32
      %dma_wait3A_148 = tpu.memref_slice %arg13[%add3A_99, %dma_wait3A] : memref<10240x128xf32, #tpu.memory_space<vmem_shared>> -> memref<80x128xf32, #tpu.memory_space<vmem_shared>>
      %dma_wait3A_149 = arith.constant 0 : i32
      %dma_wait3A_150 = tpu.memref_slice %arg13[%add3A_99, %dma_wait3A_149] : memref<10240x128xf32, #tpu.memory_space<vmem_shared>> -> memref<80x128xf32, #tpu.memory_space<vmem_shared>>
      tpu.wait_dma2 semaphore(%run_scoped3A : memref<!tpu.dma_semaphore, #tpu.memory_space<semaphore_mem>>) src(%dma_wait3A_150 : memref<80x128xf32, #tpu.memory_space<vmem_shared>>) dst(%arg10 : memref<80x128xf32, #tpu.memory_space<vmem>>)
      tpu.yield
    }) : () -> ()
    "tpu.region"() ({
      %run_scoped3A = tpu.sem_alloc : memref<!tpu.dma_semaphore, #tpu.memory_space<semaphore_mem>>
      %dma_start3A = arith.constant 0 : i32
      %dma_start3A_145 = tpu.memref_slice %arg6[%arg0, %add3A_99, %dma_start3A] : memref<2x10240x128xf32, #tpu.memory_space<hbm>> -> memref<1x80x128xf32, #tpu.memory_space<hbm>>
      %dma_start3A_146 = tpu.memref_squeeze %dma_start3A_145 : memref<1x80x128xf32, #tpu.memory_space<hbm>> -> memref<80x128xf32, #tpu.memory_space<hbm>>
      %dma_start3A_147 = arith.constant 0 : i32
      %dma_start3A_148 = tpu.memref_slice %arg6[%arg0, %add3A_99, %dma_start3A_147] : memref<2x10240x128xf32, #tpu.memory_space<hbm>> -> memref<1x80x128xf32, #tpu.memory_space<hbm>>
      %dma_start3A_149 = tpu.memref_squeeze %dma_start3A_148 : memref<1x80x128xf32, #tpu.memory_space<hbm>> -> memref<80x128xf32, #tpu.memory_space<hbm>>
      tpu.enqueue_dma source(%arg10 : memref<80x128xf32, #tpu.memory_space<vmem>>) target(%dma_start3A_149 : memref<80x128xf32, #tpu.memory_space<hbm>>) target_semaphore(%run_scoped3A : memref<!tpu.dma_semaphore, #tpu.memory_space<semaphore_mem>>)
      %dma_wait3A = arith.constant 0 : i32
      %dma_wait3A_150 = tpu.memref_slice %arg6[%arg0, %add3A_99, %dma_wait3A] : memref<2x10240x128xf32, #tpu.memory_space<hbm>> -> memref<1x80x128xf32, #tpu.memory_space<hbm>>
      %dma_wait3A_151 = tpu.memref_squeeze %dma_wait3A_150 : memref<1x80x128xf32, #tpu.memory_space<hbm>> -> memref<80x128xf32, #tpu.memory_space<hbm>>
      %dma_wait3A_152 = arith.constant 0 : i32
      %dma_wait3A_153 = tpu.memref_slice %arg6[%arg0, %add3A_99, %dma_wait3A_152] : memref<2x10240x128xf32, #tpu.memory_space<hbm>> -> memref<1x80x128xf32, #tpu.memory_space<hbm>>
      %dma_wait3A_154 = tpu.memref_squeeze %dma_wait3A_153 : memref<1x80x128xf32, #tpu.memory_space<hbm>> -> memref<80x128xf32, #tpu.memory_space<hbm>>
      tpu.wait_dma2 semaphore(%run_scoped3A : memref<!tpu.dma_semaphore, #tpu.memory_space<semaphore_mem>>) src(%arg10 : memref<80x128xf32, #tpu.memory_space<vmem>>) dst(%dma_wait3A_154 : memref<80x128xf32, #tpu.memory_space<hbm>>)
      tpu.yield
    }) : () -> ()
    "tpu.region"() ({
      %run_scoped3A = tpu.sem_alloc : memref<!tpu.dma_semaphore, #tpu.memory_space<semaphore_mem>>
      %dma_start3A = tpu.memref_slice %arg14[%add3A_99] : memref<10240xf32, #tpu.memory_space<vmem_shared>> -> memref<80xf32, #tpu.memory_space<vmem_shared>>
      %dma_start3A_145 = tpu.memref_slice %arg14[%add3A_99] : memref<10240xf32, #tpu.memory_space<vmem_shared>> -> memref<80xf32, #tpu.memory_space<vmem_shared>>
      tpu.enqueue_dma source(%dma_start3A_145 : memref<80xf32, #tpu.memory_space<vmem_shared>>) target(%arg12 : memref<80xf32, #tpu.memory_space<vmem>>) target_semaphore(%run_scoped3A : memref<!tpu.dma_semaphore, #tpu.memory_space<semaphore_mem>>)
      %dma_wait3A = tpu.memref_slice %arg14[%add3A_99] : memref<10240xf32, #tpu.memory_space<vmem_shared>> -> memref<80xf32, #tpu.memory_space<vmem_shared>>
      %dma_wait3A_146 = tpu.memref_slice %arg14[%add3A_99] : memref<10240xf32, #tpu.memory_space<vmem_shared>> -> memref<80xf32, #tpu.memory_space<vmem_shared>>
      tpu.wait_dma2 semaphore(%run_scoped3A : memref<!tpu.dma_semaphore, #tpu.memory_space<semaphore_mem>>) src(%dma_wait3A_146 : memref<80xf32, #tpu.memory_space<vmem_shared>>) dst(%arg12 : memref<80xf32, #tpu.memory_space<vmem>>)
      tpu.yield
    }) : () -> ()
    %mul3A_100 = arith.constant 10240 : i32
    %mul3A_101 = arith.muli %arg0, %mul3A_100 : i32
    %add3A_102 = arith.addi %mul3A_101, %add3A_99 : i32
    "tpu.region"() ({
      %run_scoped3A = tpu.sem_alloc : memref<!tpu.dma_semaphore, #tpu.memory_space<semaphore_mem>>
      %dma_start3A = tpu.memref_slice %arg7[%add3A_102] : memref<20480xf32, #tpu.memory_space<hbm>> -> memref<80xf32, #tpu.memory_space<hbm>>
      %dma_start3A_145 = tpu.memref_slice %arg7[%add3A_102] : memref<20480xf32, #tpu.memory_space<hbm>> -> memref<80xf32, #tpu.memory_space<hbm>>
      tpu.enqueue_dma source(%arg12 : memref<80xf32, #tpu.memory_space<vmem>>) target(%dma_start3A_145 : memref<80xf32, #tpu.memory_space<hbm>>) target_semaphore(%run_scoped3A : memref<!tpu.dma_semaphore, #tpu.memory_space<semaphore_mem>>)
      %dma_wait3A = tpu.memref_slice %arg7[%add3A_102] : memref<20480xf32, #tpu.memory_space<hbm>> -> memref<80xf32, #tpu.memory_space<hbm>>
      %dma_wait3A_146 = tpu.memref_slice %arg7[%add3A_102] : memref<20480xf32, #tpu.memory_space<hbm>> -> memref<80xf32, #tpu.memory_space<hbm>>
      tpu.wait_dma2 semaphore(%run_scoped3A : memref<!tpu.dma_semaphore, #tpu.memory_space<semaphore_mem>>) src(%arg12 : memref<80xf32, #tpu.memory_space<vmem>>) dst(%dma_wait3A_146 : memref<80xf32, #tpu.memory_space<hbm>>)
      tpu.yield
    }) : () -> ()
    %mul3A_103 = arith.constant 640 : i32
    %mul3A_104 = arith.muli %arg1, %mul3A_103 : i32
    %add3A_105 = arith.constant 160 : i32
    %add3A_106 = arith.addi %mul3A_104, %add3A_105 : i32
    "tpu.region"() ({
      %run_scoped3A = tpu.sem_alloc : memref<!tpu.dma_semaphore, #tpu.memory_space<semaphore_mem>>
      %dma_start3A = arith.constant 0 : i32
      %dma_start3A_145 = tpu.memref_slice %arg13[%add3A_106, %dma_start3A] : memref<10240x128xf32, #tpu.memory_space<vmem_shared>> -> memref<80x128xf32, #tpu.memory_space<vmem_shared>>
      %dma_start3A_146 = arith.constant 0 : i32
      %dma_start3A_147 = tpu.memref_slice %arg13[%add3A_106, %dma_start3A_146] : memref<10240x128xf32, #tpu.memory_space<vmem_shared>> -> memref<80x128xf32, #tpu.memory_space<vmem_shared>>
      tpu.enqueue_dma source(%dma_start3A_147 : memref<80x128xf32, #tpu.memory_space<vmem_shared>>) target(%arg10 : memref<80x128xf32, #tpu.memory_space<vmem>>) target_semaphore(%run_scoped3A : memref<!tpu.dma_semaphore, #tpu.memory_space<semaphore_mem>>)
      %dma_wait3A = arith.constant 0 : i32
      %dma_wait3A_148 = tpu.memref_slice %arg13[%add3A_106, %dma_wait3A] : memref<10240x128xf32, #tpu.memory_space<vmem_shared>> -> memref<80x128xf32, #tpu.memory_space<vmem_shared>>
      %dma_wait3A_149 = arith.constant 0 : i32
      %dma_wait3A_150 = tpu.memref_slice %arg13[%add3A_106, %dma_wait3A_149] : memref<10240x128xf32, #tpu.memory_space<vmem_shared>> -> memref<80x128xf32, #tpu.memory_space<vmem_shared>>
      tpu.wait_dma2 semaphore(%run_scoped3A : memref<!tpu.dma_semaphore, #tpu.memory_space<semaphore_mem>>) src(%dma_wait3A_150 : memref<80x128xf32, #tpu.memory_space<vmem_shared>>) dst(%arg10 : memref<80x128xf32, #tpu.memory_space<vmem>>)
      tpu.yield
    }) : () -> ()
    "tpu.region"() ({
      %run_scoped3A = tpu.sem_alloc : memref<!tpu.dma_semaphore, #tpu.memory_space<semaphore_mem>>
      %dma_start3A = arith.constant 0 : i32
      %dma_start3A_145 = tpu.memref_slice %arg6[%arg0, %add3A_106, %dma_start3A] : memref<2x10240x128xf32, #tpu.memory_space<hbm>> -> memref<1x80x128xf32, #tpu.memory_space<hbm>>
      %dma_start3A_146 = tpu.memref_squeeze %dma_start3A_145 : memref<1x80x128xf32, #tpu.memory_space<hbm>> -> memref<80x128xf32, #tpu.memory_space<hbm>>
      %dma_start3A_147 = arith.constant 0 : i32
      %dma_start3A_148 = tpu.memref_slice %arg6[%arg0, %add3A_106, %dma_start3A_147] : memref<2x10240x128xf32, #tpu.memory_space<hbm>> -> memref<1x80x128xf32, #tpu.memory_space<hbm>>
      %dma_start3A_149 = tpu.memref_squeeze %dma_start3A_148 : memref<1x80x128xf32, #tpu.memory_space<hbm>> -> memref<80x128xf32, #tpu.memory_space<hbm>>
      tpu.enqueue_dma source(%arg10 : memref<80x128xf32, #tpu.memory_space<vmem>>) target(%dma_start3A_149 : memref<80x128xf32, #tpu.memory_space<hbm>>) target_semaphore(%run_scoped3A : memref<!tpu.dma_semaphore, #tpu.memory_space<semaphore_mem>>)
      %dma_wait3A = arith.constant 0 : i32
      %dma_wait3A_150 = tpu.memref_slice %arg6[%arg0, %add3A_106, %dma_wait3A] : memref<2x10240x128xf32, #tpu.memory_space<hbm>> -> memref<1x80x128xf32, #tpu.memory_space<hbm>>
      %dma_wait3A_151 = tpu.memref_squeeze %dma_wait3A_150 : memref<1x80x128xf32, #tpu.memory_space<hbm>> -> memref<80x128xf32, #tpu.memory_space<hbm>>
      %dma_wait3A_152 = arith.constant 0 : i32
      %dma_wait3A_153 = tpu.memref_slice %arg6[%arg0, %add3A_106, %dma_wait3A_152] : memref<2x10240x128xf32, #tpu.memory_space<hbm>> -> memref<1x80x128xf32, #tpu.memory_space<hbm>>
      %dma_wait3A_154 = tpu.memref_squeeze %dma_wait3A_153 : memref<1x80x128xf32, #tpu.memory_space<hbm>> -> memref<80x128xf32, #tpu.memory_space<hbm>>
      tpu.wait_dma2 semaphore(%run_scoped3A : memref<!tpu.dma_semaphore, #tpu.memory_space<semaphore_mem>>) src(%arg10 : memref<80x128xf32, #tpu.memory_space<vmem>>) dst(%dma_wait3A_154 : memref<80x128xf32, #tpu.memory_space<hbm>>)
      tpu.yield
    }) : () -> ()
    "tpu.region"() ({
      %run_scoped3A = tpu.sem_alloc : memref<!tpu.dma_semaphore, #tpu.memory_space<semaphore_mem>>
      %dma_start3A = tpu.memref_slice %arg14[%add3A_106] : memref<10240xf32, #tpu.memory_space<vmem_shared>> -> memref<80xf32, #tpu.memory_space<vmem_shared>>
      %dma_start3A_145 = tpu.memref_slice %arg14[%add3A_106] : memref<10240xf32, #tpu.memory_space<vmem_shared>> -> memref<80xf32, #tpu.memory_space<vmem_shared>>
      tpu.enqueue_dma source(%dma_start3A_145 : memref<80xf32, #tpu.memory_space<vmem_shared>>) target(%arg12 : memref<80xf32, #tpu.memory_space<vmem>>) target_semaphore(%run_scoped3A : memref<!tpu.dma_semaphore, #tpu.memory_space<semaphore_mem>>)
      %dma_wait3A = tpu.memref_slice %arg14[%add3A_106] : memref<10240xf32, #tpu.memory_space<vmem_shared>> -> memref<80xf32, #tpu.memory_space<vmem_shared>>
      %dma_wait3A_146 = tpu.memref_slice %arg14[%add3A_106] : memref<10240xf32, #tpu.memory_space<vmem_shared>> -> memref<80xf32, #tpu.memory_space<vmem_shared>>
      tpu.wait_dma2 semaphore(%run_scoped3A : memref<!tpu.dma_semaphore, #tpu.memory_space<semaphore_mem>>) src(%dma_wait3A_146 : memref<80xf32, #tpu.memory_space<vmem_shared>>) dst(%arg12 : memref<80xf32, #tpu.memory_space<vmem>>)
      tpu.yield
    }) : () -> ()
    %mul3A_107 = arith.constant 10240 : i32
    %mul3A_108 = arith.muli %arg0, %mul3A_107 : i32
    %add3A_109 = arith.addi %mul3A_108, %add3A_106 : i32
    "tpu.region"() ({
      %run_scoped3A = tpu.sem_alloc : memref<!tpu.dma_semaphore, #tpu.memory_space<semaphore_mem>>
      %dma_start3A = tpu.memref_slice %arg7[%add3A_109] : memref<20480xf32, #tpu.memory_space<hbm>> -> memref<80xf32, #tpu.memory_space<hbm>>
      %dma_start3A_145 = tpu.memref_slice %arg7[%add3A_109] : memref<20480xf32, #tpu.memory_space<hbm>> -> memref<80xf32, #tpu.memory_space<hbm>>
      tpu.enqueue_dma source(%arg12 : memref<80xf32, #tpu.memory_space<vmem>>) target(%dma_start3A_145 : memref<80xf32, #tpu.memory_space<hbm>>) target_semaphore(%run_scoped3A : memref<!tpu.dma_semaphore, #tpu.memory_space<semaphore_mem>>)
      %dma_wait3A = tpu.memref_slice %arg7[%add3A_109] : memref<20480xf32, #tpu.memory_space<hbm>> -> memref<80xf32, #tpu.memory_space<hbm>>
      %dma_wait3A_146 = tpu.memref_slice %arg7[%add3A_109] : memref<20480xf32, #tpu.memory_space<hbm>> -> memref<80xf32, #tpu.memory_space<hbm>>
      tpu.wait_dma2 semaphore(%run_scoped3A : memref<!tpu.dma_semaphore, #tpu.memory_space<semaphore_mem>>) src(%arg12 : memref<80xf32, #tpu.memory_space<vmem>>) dst(%dma_wait3A_146 : memref<80xf32, #tpu.memory_space<hbm>>)
      tpu.yield
    }) : () -> ()
    %mul3A_110 = arith.constant 640 : i32
    %mul3A_111 = arith.muli %arg1, %mul3A_110 : i32
    %add3A_112 = arith.constant 240 : i32
    %add3A_113 = arith.addi %mul3A_111, %add3A_112 : i32
    "tpu.region"() ({
      %run_scoped3A = tpu.sem_alloc : memref<!tpu.dma_semaphore, #tpu.memory_space<semaphore_mem>>
      %dma_start3A = arith.constant 0 : i32
      %dma_start3A_145 = tpu.memref_slice %arg13[%add3A_113, %dma_start3A] : memref<10240x128xf32, #tpu.memory_space<vmem_shared>> -> memref<80x128xf32, #tpu.memory_space<vmem_shared>>
      %dma_start3A_146 = arith.constant 0 : i32
      %dma_start3A_147 = tpu.memref_slice %arg13[%add3A_113, %dma_start3A_146] : memref<10240x128xf32, #tpu.memory_space<vmem_shared>> -> memref<80x128xf32, #tpu.memory_space<vmem_shared>>
      tpu.enqueue_dma source(%dma_start3A_147 : memref<80x128xf32, #tpu.memory_space<vmem_shared>>) target(%arg10 : memref<80x128xf32, #tpu.memory_space<vmem>>) target_semaphore(%run_scoped3A : memref<!tpu.dma_semaphore, #tpu.memory_space<semaphore_mem>>)
      %dma_wait3A = arith.constant 0 : i32
      %dma_wait3A_148 = tpu.memref_slice %arg13[%add3A_113, %dma_wait3A] : memref<10240x128xf32, #tpu.memory_space<vmem_shared>> -> memref<80x128xf32, #tpu.memory_space<vmem_shared>>
      %dma_wait3A_149 = arith.constant 0 : i32
      %dma_wait3A_150 = tpu.memref_slice %arg13[%add3A_113, %dma_wait3A_149] : memref<10240x128xf32, #tpu.memory_space<vmem_shared>> -> memref<80x128xf32, #tpu.memory_space<vmem_shared>>
      tpu.wait_dma2 semaphore(%run_scoped3A : memref<!tpu.dma_semaphore, #tpu.memory_space<semaphore_mem>>) src(%dma_wait3A_150 : memref<80x128xf32, #tpu.memory_space<vmem_shared>>) dst(%arg10 : memref<80x128xf32, #tpu.memory_space<vmem>>)
      tpu.yield
    }) : () -> ()
    "tpu.region"() ({
      %run_scoped3A = tpu.sem_alloc : memref<!tpu.dma_semaphore, #tpu.memory_space<semaphore_mem>>
      %dma_start3A = arith.constant 0 : i32
      %dma_start3A_145 = tpu.memref_slice %arg6[%arg0, %add3A_113, %dma_start3A] : memref<2x10240x128xf32, #tpu.memory_space<hbm>> -> memref<1x80x128xf32, #tpu.memory_space<hbm>>
      %dma_start3A_146 = tpu.memref_squeeze %dma_start3A_145 : memref<1x80x128xf32, #tpu.memory_space<hbm>> -> memref<80x128xf32, #tpu.memory_space<hbm>>
      %dma_start3A_147 = arith.constant 0 : i32
      %dma_start3A_148 = tpu.memref_slice %arg6[%arg0, %add3A_113, %dma_start3A_147] : memref<2x10240x128xf32, #tpu.memory_space<hbm>> -> memref<1x80x128xf32, #tpu.memory_space<hbm>>
      %dma_start3A_149 = tpu.memref_squeeze %dma_start3A_148 : memref<1x80x128xf32, #tpu.memory_space<hbm>> -> memref<80x128xf32, #tpu.memory_space<hbm>>
      tpu.enqueue_dma source(%arg10 : memref<80x128xf32, #tpu.memory_space<vmem>>) target(%dma_start3A_149 : memref<80x128xf32, #tpu.memory_space<hbm>>) target_semaphore(%run_scoped3A : memref<!tpu.dma_semaphore, #tpu.memory_space<semaphore_mem>>)
      %dma_wait3A = arith.constant 0 : i32
      %dma_wait3A_150 = tpu.memref_slice %arg6[%arg0, %add3A_113, %dma_wait3A] : memref<2x10240x128xf32, #tpu.memory_space<hbm>> -> memref<1x80x128xf32, #tpu.memory_space<hbm>>
      %dma_wait3A_151 = tpu.memref_squeeze %dma_wait3A_150 : memref<1x80x128xf32, #tpu.memory_space<hbm>> -> memref<80x128xf32, #tpu.memory_space<hbm>>
      %dma_wait3A_152 = arith.constant 0 : i32
      %dma_wait3A_153 = tpu.memref_slice %arg6[%arg0, %add3A_113, %dma_wait3A_152] : memref<2x10240x128xf32, #tpu.memory_space<hbm>> -> memref<1x80x128xf32, #tpu.memory_space<hbm>>
      %dma_wait3A_154 = tpu.memref_squeeze %dma_wait3A_153 : memref<1x80x128xf32, #tpu.memory_space<hbm>> -> memref<80x128xf32, #tpu.memory_space<hbm>>
      tpu.wait_dma2 semaphore(%run_scoped3A : memref<!tpu.dma_semaphore, #tpu.memory_space<semaphore_mem>>) src(%arg10 : memref<80x128xf32, #tpu.memory_space<vmem>>) dst(%dma_wait3A_154 : memref<80x128xf32, #tpu.memory_space<hbm>>)
      tpu.yield
    }) : () -> ()
    "tpu.region"() ({
      %run_scoped3A = tpu.sem_alloc : memref<!tpu.dma_semaphore, #tpu.memory_space<semaphore_mem>>
      %dma_start3A = tpu.memref_slice %arg14[%add3A_113] : memref<10240xf32, #tpu.memory_space<vmem_shared>> -> memref<80xf32, #tpu.memory_space<vmem_shared>>
      %dma_start3A_145 = tpu.memref_slice %arg14[%add3A_113] : memref<10240xf32, #tpu.memory_space<vmem_shared>> -> memref<80xf32, #tpu.memory_space<vmem_shared>>
      tpu.enqueue_dma source(%dma_start3A_145 : memref<80xf32, #tpu.memory_space<vmem_shared>>) target(%arg12 : memref<80xf32, #tpu.memory_space<vmem>>) target_semaphore(%run_scoped3A : memref<!tpu.dma_semaphore, #tpu.memory_space<semaphore_mem>>)
      %dma_wait3A = tpu.memref_slice %arg14[%add3A_113] : memref<10240xf32, #tpu.memory_space<vmem_shared>> -> memref<80xf32, #tpu.memory_space<vmem_shared>>
      %dma_wait3A_146 = tpu.memref_slice %arg14[%add3A_113] : memref<10240xf32, #tpu.memory_space<vmem_shared>> -> memref<80xf32, #tpu.memory_space<vmem_shared>>
      tpu.wait_dma2 semaphore(%run_scoped3A : memref<!tpu.dma_semaphore, #tpu.memory_space<semaphore_mem>>) src(%dma_wait3A_146 : memref<80xf32, #tpu.memory_space<vmem_shared>>) dst(%arg12 : memref<80xf32, #tpu.memory_space<vmem>>)
      tpu.yield
    }) : () -> ()
    %mul3A_114 = arith.constant 10240 : i32
    %mul3A_115 = arith.muli %arg0, %mul3A_114 : i32
    %add3A_116 = arith.addi %mul3A_115, %add3A_113 : i32
    "tpu.region"() ({
      %run_scoped3A = tpu.sem_alloc : memref<!tpu.dma_semaphore, #tpu.memory_space<semaphore_mem>>
      %dma_start3A = tpu.memref_slice %arg7[%add3A_116] : memref<20480xf32, #tpu.memory_space<hbm>> -> memref<80xf32, #tpu.memory_space<hbm>>
      %dma_start3A_145 = tpu.memref_slice %arg7[%add3A_116] : memref<20480xf32, #tpu.memory_space<hbm>> -> memref<80xf32, #tpu.memory_space<hbm>>
      tpu.enqueue_dma source(%arg12 : memref<80xf32, #tpu.memory_space<vmem>>) target(%dma_start3A_145 : memref<80xf32, #tpu.memory_space<hbm>>) target_semaphore(%run_scoped3A : memref<!tpu.dma_semaphore, #tpu.memory_space<semaphore_mem>>)
      %dma_wait3A = tpu.memref_slice %arg7[%add3A_116] : memref<20480xf32, #tpu.memory_space<hbm>> -> memref<80xf32, #tpu.memory_space<hbm>>
      %dma_wait3A_146 = tpu.memref_slice %arg7[%add3A_116] : memref<20480xf32, #tpu.memory_space<hbm>> -> memref<80xf32, #tpu.memory_space<hbm>>
      tpu.wait_dma2 semaphore(%run_scoped3A : memref<!tpu.dma_semaphore, #tpu.memory_space<semaphore_mem>>) src(%arg12 : memref<80xf32, #tpu.memory_space<vmem>>) dst(%dma_wait3A_146 : memref<80xf32, #tpu.memory_space<hbm>>)
      tpu.yield
    }) : () -> ()
    %mul3A_117 = arith.constant 640 : i32
    %mul3A_118 = arith.muli %arg1, %mul3A_117 : i32
    %add3A_119 = arith.constant 320 : i32
    %add3A_120 = arith.addi %mul3A_118, %add3A_119 : i32
    "tpu.region"() ({
      %run_scoped3A = tpu.sem_alloc : memref<!tpu.dma_semaphore, #tpu.memory_space<semaphore_mem>>
      %dma_start3A = arith.constant 0 : i32
      %dma_start3A_145 = tpu.memref_slice %arg13[%add3A_120, %dma_start3A] : memref<10240x128xf32, #tpu.memory_space<vmem_shared>> -> memref<80x128xf32, #tpu.memory_space<vmem_shared>>
      %dma_start3A_146 = arith.constant 0 : i32
      %dma_start3A_147 = tpu.memref_slice %arg13[%add3A_120, %dma_start3A_146] : memref<10240x128xf32, #tpu.memory_space<vmem_shared>> -> memref<80x128xf32, #tpu.memory_space<vmem_shared>>
      tpu.enqueue_dma source(%dma_start3A_147 : memref<80x128xf32, #tpu.memory_space<vmem_shared>>) target(%arg10 : memref<80x128xf32, #tpu.memory_space<vmem>>) target_semaphore(%run_scoped3A : memref<!tpu.dma_semaphore, #tpu.memory_space<semaphore_mem>>)
      %dma_wait3A = arith.constant 0 : i32
      %dma_wait3A_148 = tpu.memref_slice %arg13[%add3A_120, %dma_wait3A] : memref<10240x128xf32, #tpu.memory_space<vmem_shared>> -> memref<80x128xf32, #tpu.memory_space<vmem_shared>>
      %dma_wait3A_149 = arith.constant 0 : i32
      %dma_wait3A_150 = tpu.memref_slice %arg13[%add3A_120, %dma_wait3A_149] : memref<10240x128xf32, #tpu.memory_space<vmem_shared>> -> memref<80x128xf32, #tpu.memory_space<vmem_shared>>
      tpu.wait_dma2 semaphore(%run_scoped3A : memref<!tpu.dma_semaphore, #tpu.memory_space<semaphore_mem>>) src(%dma_wait3A_150 : memref<80x128xf32, #tpu.memory_space<vmem_shared>>) dst(%arg10 : memref<80x128xf32, #tpu.memory_space<vmem>>)
      tpu.yield
    }) : () -> ()
    "tpu.region"() ({
      %run_scoped3A = tpu.sem_alloc : memref<!tpu.dma_semaphore, #tpu.memory_space<semaphore_mem>>
      %dma_start3A = arith.constant 0 : i32
      %dma_start3A_145 = tpu.memref_slice %arg6[%arg0, %add3A_120, %dma_start3A] : memref<2x10240x128xf32, #tpu.memory_space<hbm>> -> memref<1x80x128xf32, #tpu.memory_space<hbm>>
      %dma_start3A_146 = tpu.memref_squeeze %dma_start3A_145 : memref<1x80x128xf32, #tpu.memory_space<hbm>> -> memref<80x128xf32, #tpu.memory_space<hbm>>
      %dma_start3A_147 = arith.constant 0 : i32
      %dma_start3A_148 = tpu.memref_slice %arg6[%arg0, %add3A_120, %dma_start3A_147] : memref<2x10240x128xf32, #tpu.memory_space<hbm>> -> memref<1x80x128xf32, #tpu.memory_space<hbm>>
      %dma_start3A_149 = tpu.memref_squeeze %dma_start3A_148 : memref<1x80x128xf32, #tpu.memory_space<hbm>> -> memref<80x128xf32, #tpu.memory_space<hbm>>
      tpu.enqueue_dma source(%arg10 : memref<80x128xf32, #tpu.memory_space<vmem>>) target(%dma_start3A_149 : memref<80x128xf32, #tpu.memory_space<hbm>>) target_semaphore(%run_scoped3A : memref<!tpu.dma_semaphore, #tpu.memory_space<semaphore_mem>>)
      %dma_wait3A = arith.constant 0 : i32
      %dma_wait3A_150 = tpu.memref_slice %arg6[%arg0, %add3A_120, %dma_wait3A] : memref<2x10240x128xf32, #tpu.memory_space<hbm>> -> memref<1x80x128xf32, #tpu.memory_space<hbm>>
      %dma_wait3A_151 = tpu.memref_squeeze %dma_wait3A_150 : memref<1x80x128xf32, #tpu.memory_space<hbm>> -> memref<80x128xf32, #tpu.memory_space<hbm>>
      %dma_wait3A_152 = arith.constant 0 : i32
      %dma_wait3A_153 = tpu.memref_slice %arg6[%arg0, %add3A_120, %dma_wait3A_152] : memref<2x10240x128xf32, #tpu.memory_space<hbm>> -> memref<1x80x128xf32, #tpu.memory_space<hbm>>
      %dma_wait3A_154 = tpu.memref_squeeze %dma_wait3A_153 : memref<1x80x128xf32, #tpu.memory_space<hbm>> -> memref<80x128xf32, #tpu.memory_space<hbm>>
      tpu.wait_dma2 semaphore(%run_scoped3A : memref<!tpu.dma_semaphore, #tpu.memory_space<semaphore_mem>>) src(%arg10 : memref<80x128xf32, #tpu.memory_space<vmem>>) dst(%dma_wait3A_154 : memref<80x128xf32, #tpu.memory_space<hbm>>)
      tpu.yield
    }) : () -> ()
    "tpu.region"() ({
      %run_scoped3A = tpu.sem_alloc : memref<!tpu.dma_semaphore, #tpu.memory_space<semaphore_mem>>
      %dma_start3A = tpu.memref_slice %arg14[%add3A_120] : memref<10240xf32, #tpu.memory_space<vmem_shared>> -> memref<80xf32, #tpu.memory_space<vmem_shared>>
      %dma_start3A_145 = tpu.memref_slice %arg14[%add3A_120] : memref<10240xf32, #tpu.memory_space<vmem_shared>> -> memref<80xf32, #tpu.memory_space<vmem_shared>>
      tpu.enqueue_dma source(%dma_start3A_145 : memref<80xf32, #tpu.memory_space<vmem_shared>>) target(%arg12 : memref<80xf32, #tpu.memory_space<vmem>>) target_semaphore(%run_scoped3A : memref<!tpu.dma_semaphore, #tpu.memory_space<semaphore_mem>>)
      %dma_wait3A = tpu.memref_slice %arg14[%add3A_120] : memref<10240xf32, #tpu.memory_space<vmem_shared>> -> memref<80xf32, #tpu.memory_space<vmem_shared>>
      %dma_wait3A_146 = tpu.memref_slice %arg14[%add3A_120] : memref<10240xf32, #tpu.memory_space<vmem_shared>> -> memref<80xf32, #tpu.memory_space<vmem_shared>>
      tpu.wait_dma2 semaphore(%run_scoped3A : memref<!tpu.dma_semaphore, #tpu.memory_space<semaphore_mem>>) src(%dma_wait3A_146 : memref<80xf32, #tpu.memory_space<vmem_shared>>) dst(%arg12 : memref<80xf32, #tpu.memory_space<vmem>>)
      tpu.yield
    }) : () -> ()
    %mul3A_121 = arith.constant 10240 : i32
    %mul3A_122 = arith.muli %arg0, %mul3A_121 : i32
    %add3A_123 = arith.addi %mul3A_122, %add3A_120 : i32
    "tpu.region"() ({
      %run_scoped3A = tpu.sem_alloc : memref<!tpu.dma_semaphore, #tpu.memory_space<semaphore_mem>>
      %dma_start3A = tpu.memref_slice %arg7[%add3A_123] : memref<20480xf32, #tpu.memory_space<hbm>> -> memref<80xf32, #tpu.memory_space<hbm>>
      %dma_start3A_145 = tpu.memref_slice %arg7[%add3A_123] : memref<20480xf32, #tpu.memory_space<hbm>> -> memref<80xf32, #tpu.memory_space<hbm>>
      tpu.enqueue_dma source(%arg12 : memref<80xf32, #tpu.memory_space<vmem>>) target(%dma_start3A_145 : memref<80xf32, #tpu.memory_space<hbm>>) target_semaphore(%run_scoped3A : memref<!tpu.dma_semaphore, #tpu.memory_space<semaphore_mem>>)
      %dma_wait3A = tpu.memref_slice %arg7[%add3A_123] : memref<20480xf32, #tpu.memory_space<hbm>> -> memref<80xf32, #tpu.memory_space<hbm>>
      %dma_wait3A_146 = tpu.memref_slice %arg7[%add3A_123] : memref<20480xf32, #tpu.memory_space<hbm>> -> memref<80xf32, #tpu.memory_space<hbm>>
      tpu.wait_dma2 semaphore(%run_scoped3A : memref<!tpu.dma_semaphore, #tpu.memory_space<semaphore_mem>>) src(%arg12 : memref<80xf32, #tpu.memory_space<vmem>>) dst(%dma_wait3A_146 : memref<80xf32, #tpu.memory_space<hbm>>)
      tpu.yield
    }) : () -> ()
    %mul3A_124 = arith.constant 640 : i32
    %mul3A_125 = arith.muli %arg1, %mul3A_124 : i32
    %add3A_126 = arith.constant 400 : i32
    %add3A_127 = arith.addi %mul3A_125, %add3A_126 : i32
    "tpu.region"() ({
      %run_scoped3A = tpu.sem_alloc : memref<!tpu.dma_semaphore, #tpu.memory_space<semaphore_mem>>
      %dma_start3A = arith.constant 0 : i32
      %dma_start3A_145 = tpu.memref_slice %arg13[%add3A_127, %dma_start3A] : memref<10240x128xf32, #tpu.memory_space<vmem_shared>> -> memref<80x128xf32, #tpu.memory_space<vmem_shared>>
      %dma_start3A_146 = arith.constant 0 : i32
      %dma_start3A_147 = tpu.memref_slice %arg13[%add3A_127, %dma_start3A_146] : memref<10240x128xf32, #tpu.memory_space<vmem_shared>> -> memref<80x128xf32, #tpu.memory_space<vmem_shared>>
      tpu.enqueue_dma source(%dma_start3A_147 : memref<80x128xf32, #tpu.memory_space<vmem_shared>>) target(%arg10 : memref<80x128xf32, #tpu.memory_space<vmem>>) target_semaphore(%run_scoped3A : memref<!tpu.dma_semaphore, #tpu.memory_space<semaphore_mem>>)
      %dma_wait3A = arith.constant 0 : i32
      %dma_wait3A_148 = tpu.memref_slice %arg13[%add3A_127, %dma_wait3A] : memref<10240x128xf32, #tpu.memory_space<vmem_shared>> -> memref<80x128xf32, #tpu.memory_space<vmem_shared>>
      %dma_wait3A_149 = arith.constant 0 : i32
      %dma_wait3A_150 = tpu.memref_slice %arg13[%add3A_127, %dma_wait3A_149] : memref<10240x128xf32, #tpu.memory_space<vmem_shared>> -> memref<80x128xf32, #tpu.memory_space<vmem_shared>>
      tpu.wait_dma2 semaphore(%run_scoped3A : memref<!tpu.dma_semaphore, #tpu.memory_space<semaphore_mem>>) src(%dma_wait3A_150 : memref<80x128xf32, #tpu.memory_space<vmem_shared>>) dst(%arg10 : memref<80x128xf32, #tpu.memory_space<vmem>>)
      tpu.yield
    }) : () -> ()
    "tpu.region"() ({
      %run_scoped3A = tpu.sem_alloc : memref<!tpu.dma_semaphore, #tpu.memory_space<semaphore_mem>>
      %dma_start3A = arith.constant 0 : i32
      %dma_start3A_145 = tpu.memref_slice %arg6[%arg0, %add3A_127, %dma_start3A] : memref<2x10240x128xf32, #tpu.memory_space<hbm>> -> memref<1x80x128xf32, #tpu.memory_space<hbm>>
      %dma_start3A_146 = tpu.memref_squeeze %dma_start3A_145 : memref<1x80x128xf32, #tpu.memory_space<hbm>> -> memref<80x128xf32, #tpu.memory_space<hbm>>
      %dma_start3A_147 = arith.constant 0 : i32
      %dma_start3A_148 = tpu.memref_slice %arg6[%arg0, %add3A_127, %dma_start3A_147] : memref<2x10240x128xf32, #tpu.memory_space<hbm>> -> memref<1x80x128xf32, #tpu.memory_space<hbm>>
      %dma_start3A_149 = tpu.memref_squeeze %dma_start3A_148 : memref<1x80x128xf32, #tpu.memory_space<hbm>> -> memref<80x128xf32, #tpu.memory_space<hbm>>
      tpu.enqueue_dma source(%arg10 : memref<80x128xf32, #tpu.memory_space<vmem>>) target(%dma_start3A_149 : memref<80x128xf32, #tpu.memory_space<hbm>>) target_semaphore(%run_scoped3A : memref<!tpu.dma_semaphore, #tpu.memory_space<semaphore_mem>>)
      %dma_wait3A = arith.constant 0 : i32
      %dma_wait3A_150 = tpu.memref_slice %arg6[%arg0, %add3A_127, %dma_wait3A] : memref<2x10240x128xf32, #tpu.memory_space<hbm>> -> memref<1x80x128xf32, #tpu.memory_space<hbm>>
      %dma_wait3A_151 = tpu.memref_squeeze %dma_wait3A_150 : memref<1x80x128xf32, #tpu.memory_space<hbm>> -> memref<80x128xf32, #tpu.memory_space<hbm>>
      %dma_wait3A_152 = arith.constant 0 : i32
      %dma_wait3A_153 = tpu.memref_slice %arg6[%arg0, %add3A_127, %dma_wait3A_152] : memref<2x10240x128xf32, #tpu.memory_space<hbm>> -> memref<1x80x128xf32, #tpu.memory_space<hbm>>
      %dma_wait3A_154 = tpu.memref_squeeze %dma_wait3A_153 : memref<1x80x128xf32, #tpu.memory_space<hbm>> -> memref<80x128xf32, #tpu.memory_space<hbm>>
      tpu.wait_dma2 semaphore(%run_scoped3A : memref<!tpu.dma_semaphore, #tpu.memory_space<semaphore_mem>>) src(%arg10 : memref<80x128xf32, #tpu.memory_space<vmem>>) dst(%dma_wait3A_154 : memref<80x128xf32, #tpu.memory_space<hbm>>)
      tpu.yield
    }) : () -> ()
    "tpu.region"() ({
      %run_scoped3A = tpu.sem_alloc : memref<!tpu.dma_semaphore, #tpu.memory_space<semaphore_mem>>
      %dma_start3A = tpu.memref_slice %arg14[%add3A_127] : memref<10240xf32, #tpu.memory_space<vmem_shared>> -> memref<80xf32, #tpu.memory_space<vmem_shared>>
      %dma_start3A_145 = tpu.memref_slice %arg14[%add3A_127] : memref<10240xf32, #tpu.memory_space<vmem_shared>> -> memref<80xf32, #tpu.memory_space<vmem_shared>>
      tpu.enqueue_dma source(%dma_start3A_145 : memref<80xf32, #tpu.memory_space<vmem_shared>>) target(%arg12 : memref<80xf32, #tpu.memory_space<vmem>>) target_semaphore(%run_scoped3A : memref<!tpu.dma_semaphore, #tpu.memory_space<semaphore_mem>>)
      %dma_wait3A = tpu.memref_slice %arg14[%add3A_127] : memref<10240xf32, #tpu.memory_space<vmem_shared>> -> memref<80xf32, #tpu.memory_space<vmem_shared>>
      %dma_wait3A_146 = tpu.memref_slice %arg14[%add3A_127] : memref<10240xf32, #tpu.memory_space<vmem_shared>> -> memref<80xf32, #tpu.memory_space<vmem_shared>>
      tpu.wait_dma2 semaphore(%run_scoped3A : memref<!tpu.dma_semaphore, #tpu.memory_space<semaphore_mem>>) src(%dma_wait3A_146 : memref<80xf32, #tpu.memory_space<vmem_shared>>) dst(%arg12 : memref<80xf32, #tpu.memory_space<vmem>>)
      tpu.yield
    }) : () -> ()
    %mul3A_128 = arith.constant 10240 : i32
    %mul3A_129 = arith.muli %arg0, %mul3A_128 : i32
    %add3A_130 = arith.addi %mul3A_129, %add3A_127 : i32
    "tpu.region"() ({
      %run_scoped3A = tpu.sem_alloc : memref<!tpu.dma_semaphore, #tpu.memory_space<semaphore_mem>>
      %dma_start3A = tpu.memref_slice %arg7[%add3A_130] : memref<20480xf32, #tpu.memory_space<hbm>> -> memref<80xf32, #tpu.memory_space<hbm>>
      %dma_start3A_145 = tpu.memref_slice %arg7[%add3A_130] : memref<20480xf32, #tpu.memory_space<hbm>> -> memref<80xf32, #tpu.memory_space<hbm>>
      tpu.enqueue_dma source(%arg12 : memref<80xf32, #tpu.memory_space<vmem>>) target(%dma_start3A_145 : memref<80xf32, #tpu.memory_space<hbm>>) target_semaphore(%run_scoped3A : memref<!tpu.dma_semaphore, #tpu.memory_space<semaphore_mem>>)
      %dma_wait3A = tpu.memref_slice %arg7[%add3A_130] : memref<20480xf32, #tpu.memory_space<hbm>> -> memref<80xf32, #tpu.memory_space<hbm>>
      %dma_wait3A_146 = tpu.memref_slice %arg7[%add3A_130] : memref<20480xf32, #tpu.memory_space<hbm>> -> memref<80xf32, #tpu.memory_space<hbm>>
      tpu.wait_dma2 semaphore(%run_scoped3A : memref<!tpu.dma_semaphore, #tpu.memory_space<semaphore_mem>>) src(%arg12 : memref<80xf32, #tpu.memory_space<vmem>>) dst(%dma_wait3A_146 : memref<80xf32, #tpu.memory_space<hbm>>)
      tpu.yield
    }) : () -> ()
    %mul3A_131 = arith.constant 640 : i32
    %mul3A_132 = arith.muli %arg1, %mul3A_131 : i32
    %add3A_133 = arith.constant 480 : i32
    %add3A_134 = arith.addi %mul3A_132, %add3A_133 : i32
    "tpu.region"() ({
      %run_scoped3A = tpu.sem_alloc : memref<!tpu.dma_semaphore, #tpu.memory_space<semaphore_mem>>
      %dma_start3A = arith.constant 0 : i32
      %dma_start3A_145 = tpu.memref_slice %arg13[%add3A_134, %dma_start3A] : memref<10240x128xf32, #tpu.memory_space<vmem_shared>> -> memref<80x128xf32, #tpu.memory_space<vmem_shared>>
      %dma_start3A_146 = arith.constant 0 : i32
      %dma_start3A_147 = tpu.memref_slice %arg13[%add3A_134, %dma_start3A_146] : memref<10240x128xf32, #tpu.memory_space<vmem_shared>> -> memref<80x128xf32, #tpu.memory_space<vmem_shared>>
      tpu.enqueue_dma source(%dma_start3A_147 : memref<80x128xf32, #tpu.memory_space<vmem_shared>>) target(%arg10 : memref<80x128xf32, #tpu.memory_space<vmem>>) target_semaphore(%run_scoped3A : memref<!tpu.dma_semaphore, #tpu.memory_space<semaphore_mem>>)
      %dma_wait3A = arith.constant 0 : i32
      %dma_wait3A_148 = tpu.memref_slice %arg13[%add3A_134, %dma_wait3A] : memref<10240x128xf32, #tpu.memory_space<vmem_shared>> -> memref<80x128xf32, #tpu.memory_space<vmem_shared>>
      %dma_wait3A_149 = arith.constant 0 : i32
      %dma_wait3A_150 = tpu.memref_slice %arg13[%add3A_134, %dma_wait3A_149] : memref<10240x128xf32, #tpu.memory_space<vmem_shared>> -> memref<80x128xf32, #tpu.memory_space<vmem_shared>>
      tpu.wait_dma2 semaphore(%run_scoped3A : memref<!tpu.dma_semaphore, #tpu.memory_space<semaphore_mem>>) src(%dma_wait3A_150 : memref<80x128xf32, #tpu.memory_space<vmem_shared>>) dst(%arg10 : memref<80x128xf32, #tpu.memory_space<vmem>>)
      tpu.yield
    }) : () -> ()
    "tpu.region"() ({
      %run_scoped3A = tpu.sem_alloc : memref<!tpu.dma_semaphore, #tpu.memory_space<semaphore_mem>>
      %dma_start3A = arith.constant 0 : i32
      %dma_start3A_145 = tpu.memref_slice %arg6[%arg0, %add3A_134, %dma_start3A] : memref<2x10240x128xf32, #tpu.memory_space<hbm>> -> memref<1x80x128xf32, #tpu.memory_space<hbm>>
      %dma_start3A_146 = tpu.memref_squeeze %dma_start3A_145 : memref<1x80x128xf32, #tpu.memory_space<hbm>> -> memref<80x128xf32, #tpu.memory_space<hbm>>
      %dma_start3A_147 = arith.constant 0 : i32
      %dma_start3A_148 = tpu.memref_slice %arg6[%arg0, %add3A_134, %dma_start3A_147] : memref<2x10240x128xf32, #tpu.memory_space<hbm>> -> memref<1x80x128xf32, #tpu.memory_space<hbm>>
      %dma_start3A_149 = tpu.memref_squeeze %dma_start3A_148 : memref<1x80x128xf32, #tpu.memory_space<hbm>> -> memref<80x128xf32, #tpu.memory_space<hbm>>
      tpu.enqueue_dma source(%arg10 : memref<80x128xf32, #tpu.memory_space<vmem>>) target(%dma_start3A_149 : memref<80x128xf32, #tpu.memory_space<hbm>>) target_semaphore(%run_scoped3A : memref<!tpu.dma_semaphore, #tpu.memory_space<semaphore_mem>>)
      %dma_wait3A = arith.constant 0 : i32
      %dma_wait3A_150 = tpu.memref_slice %arg6[%arg0, %add3A_134, %dma_wait3A] : memref<2x10240x128xf32, #tpu.memory_space<hbm>> -> memref<1x80x128xf32, #tpu.memory_space<hbm>>
      %dma_wait3A_151 = tpu.memref_squeeze %dma_wait3A_150 : memref<1x80x128xf32, #tpu.memory_space<hbm>> -> memref<80x128xf32, #tpu.memory_space<hbm>>
      %dma_wait3A_152 = arith.constant 0 : i32
      %dma_wait3A_153 = tpu.memref_slice %arg6[%arg0, %add3A_134, %dma_wait3A_152] : memref<2x10240x128xf32, #tpu.memory_space<hbm>> -> memref<1x80x128xf32, #tpu.memory_space<hbm>>
      %dma_wait3A_154 = tpu.memref_squeeze %dma_wait3A_153 : memref<1x80x128xf32, #tpu.memory_space<hbm>> -> memref<80x128xf32, #tpu.memory_space<hbm>>
      tpu.wait_dma2 semaphore(%run_scoped3A : memref<!tpu.dma_semaphore, #tpu.memory_space<semaphore_mem>>) src(%arg10 : memref<80x128xf32, #tpu.memory_space<vmem>>) dst(%dma_wait3A_154 : memref<80x128xf32, #tpu.memory_space<hbm>>)
      tpu.yield
    }) : () -> ()
    "tpu.region"() ({
      %run_scoped3A = tpu.sem_alloc : memref<!tpu.dma_semaphore, #tpu.memory_space<semaphore_mem>>
      %dma_start3A = tpu.memref_slice %arg14[%add3A_134] : memref<10240xf32, #tpu.memory_space<vmem_shared>> -> memref<80xf32, #tpu.memory_space<vmem_shared>>
      %dma_start3A_145 = tpu.memref_slice %arg14[%add3A_134] : memref<10240xf32, #tpu.memory_space<vmem_shared>> -> memref<80xf32, #tpu.memory_space<vmem_shared>>
      tpu.enqueue_dma source(%dma_start3A_145 : memref<80xf32, #tpu.memory_space<vmem_shared>>) target(%arg12 : memref<80xf32, #tpu.memory_space<vmem>>) target_semaphore(%run_scoped3A : memref<!tpu.dma_semaphore, #tpu.memory_space<semaphore_mem>>)
      %dma_wait3A = tpu.memref_slice %arg14[%add3A_134] : memref<10240xf32, #tpu.memory_space<vmem_shared>> -> memref<80xf32, #tpu.memory_space<vmem_shared>>
      %dma_wait3A_146 = tpu.memref_slice %arg14[%add3A_134] : memref<10240xf32, #tpu.memory_space<vmem_shared>> -> memref<80xf32, #tpu.memory_space<vmem_shared>>
      tpu.wait_dma2 semaphore(%run_scoped3A : memref<!tpu.dma_semaphore, #tpu.memory_space<semaphore_mem>>) src(%dma_wait3A_146 : memref<80xf32, #tpu.memory_space<vmem_shared>>) dst(%arg12 : memref<80xf32, #tpu.memory_space<vmem>>)
      tpu.yield
    }) : () -> ()
    %mul3A_135 = arith.constant 10240 : i32
    %mul3A_136 = arith.muli %arg0, %mul3A_135 : i32
    %add3A_137 = arith.addi %mul3A_136, %add3A_134 : i32
    "tpu.region"() ({
      %run_scoped3A = tpu.sem_alloc : memref<!tpu.dma_semaphore, #tpu.memory_space<semaphore_mem>>
      %dma_start3A = tpu.memref_slice %arg7[%add3A_137] : memref<20480xf32, #tpu.memory_space<hbm>> -> memref<80xf32, #tpu.memory_space<hbm>>
      %dma_start3A_145 = tpu.memref_slice %arg7[%add3A_137] : memref<20480xf32, #tpu.memory_space<hbm>> -> memref<80xf32, #tpu.memory_space<hbm>>
      tpu.enqueue_dma source(%arg12 : memref<80xf32, #tpu.memory_space<vmem>>) target(%dma_start3A_145 : memref<80xf32, #tpu.memory_space<hbm>>) target_semaphore(%run_scoped3A : memref<!tpu.dma_semaphore, #tpu.memory_space<semaphore_mem>>)
      %dma_wait3A = tpu.memref_slice %arg7[%add3A_137] : memref<20480xf32, #tpu.memory_space<hbm>> -> memref<80xf32, #tpu.memory_space<hbm>>
      %dma_wait3A_146 = tpu.memref_slice %arg7[%add3A_137] : memref<20480xf32, #tpu.memory_space<hbm>> -> memref<80xf32, #tpu.memory_space<hbm>>
      tpu.wait_dma2 semaphore(%run_scoped3A : memref<!tpu.dma_semaphore, #tpu.memory_space<semaphore_mem>>) src(%arg12 : memref<80xf32, #tpu.memory_space<vmem>>) dst(%dma_wait3A_146 : memref<80xf32, #tpu.memory_space<hbm>>)
      tpu.yield
    }) : () -> ()
    %mul3A_138 = arith.constant 640 : i32
    %mul3A_139 = arith.muli %arg1, %mul3A_138 : i32
    %add3A_140 = arith.constant 560 : i32
    %add3A_141 = arith.addi %mul3A_139, %add3A_140 : i32
    "tpu.region"() ({
      %run_scoped3A = tpu.sem_alloc : memref<!tpu.dma_semaphore, #tpu.memory_space<semaphore_mem>>
      %dma_start3A = arith.constant 0 : i32
      %dma_start3A_145 = tpu.memref_slice %arg13[%add3A_141, %dma_start3A] : memref<10240x128xf32, #tpu.memory_space<vmem_shared>> -> memref<80x128xf32, #tpu.memory_space<vmem_shared>>
      %dma_start3A_146 = arith.constant 0 : i32
      %dma_start3A_147 = tpu.memref_slice %arg13[%add3A_141, %dma_start3A_146] : memref<10240x128xf32, #tpu.memory_space<vmem_shared>> -> memref<80x128xf32, #tpu.memory_space<vmem_shared>>
      tpu.enqueue_dma source(%dma_start3A_147 : memref<80x128xf32, #tpu.memory_space<vmem_shared>>) target(%arg10 : memref<80x128xf32, #tpu.memory_space<vmem>>) target_semaphore(%run_scoped3A : memref<!tpu.dma_semaphore, #tpu.memory_space<semaphore_mem>>)
      %dma_wait3A = arith.constant 0 : i32
      %dma_wait3A_148 = tpu.memref_slice %arg13[%add3A_141, %dma_wait3A] : memref<10240x128xf32, #tpu.memory_space<vmem_shared>> -> memref<80x128xf32, #tpu.memory_space<vmem_shared>>
      %dma_wait3A_149 = arith.constant 0 : i32
      %dma_wait3A_150 = tpu.memref_slice %arg13[%add3A_141, %dma_wait3A_149] : memref<10240x128xf32, #tpu.memory_space<vmem_shared>> -> memref<80x128xf32, #tpu.memory_space<vmem_shared>>
      tpu.wait_dma2 semaphore(%run_scoped3A : memref<!tpu.dma_semaphore, #tpu.memory_space<semaphore_mem>>) src(%dma_wait3A_150 : memref<80x128xf32, #tpu.memory_space<vmem_shared>>) dst(%arg10 : memref<80x128xf32, #tpu.memory_space<vmem>>)
      tpu.yield
    }) : () -> ()
    "tpu.region"() ({
      %run_scoped3A = tpu.sem_alloc : memref<!tpu.dma_semaphore, #tpu.memory_space<semaphore_mem>>
      %dma_start3A = arith.constant 0 : i32
      %dma_start3A_145 = tpu.memref_slice %arg6[%arg0, %add3A_141, %dma_start3A] : memref<2x10240x128xf32, #tpu.memory_space<hbm>> -> memref<1x80x128xf32, #tpu.memory_space<hbm>>
      %dma_start3A_146 = tpu.memref_squeeze %dma_start3A_145 : memref<1x80x128xf32, #tpu.memory_space<hbm>> -> memref<80x128xf32, #tpu.memory_space<hbm>>
      %dma_start3A_147 = arith.constant 0 : i32
      %dma_start3A_148 = tpu.memref_slice %arg6[%arg0, %add3A_141, %dma_start3A_147] : memref<2x10240x128xf32, #tpu.memory_space<hbm>> -> memref<1x80x128xf32, #tpu.memory_space<hbm>>
      %dma_start3A_149 = tpu.memref_squeeze %dma_start3A_148 : memref<1x80x128xf32, #tpu.memory_space<hbm>> -> memref<80x128xf32, #tpu.memory_space<hbm>>
      tpu.enqueue_dma source(%arg10 : memref<80x128xf32, #tpu.memory_space<vmem>>) target(%dma_start3A_149 : memref<80x128xf32, #tpu.memory_space<hbm>>) target_semaphore(%run_scoped3A : memref<!tpu.dma_semaphore, #tpu.memory_space<semaphore_mem>>)
      %dma_wait3A = arith.constant 0 : i32
      %dma_wait3A_150 = tpu.memref_slice %arg6[%arg0, %add3A_141, %dma_wait3A] : memref<2x10240x128xf32, #tpu.memory_space<hbm>> -> memref<1x80x128xf32, #tpu.memory_space<hbm>>
      %dma_wait3A_151 = tpu.memref_squeeze %dma_wait3A_150 : memref<1x80x128xf32, #tpu.memory_space<hbm>> -> memref<80x128xf32, #tpu.memory_space<hbm>>
      %dma_wait3A_152 = arith.constant 0 : i32
      %dma_wait3A_153 = tpu.memref_slice %arg6[%arg0, %add3A_141, %dma_wait3A_152] : memref<2x10240x128xf32, #tpu.memory_space<hbm>> -> memref<1x80x128xf32, #tpu.memory_space<hbm>>
      %dma_wait3A_154 = tpu.memref_squeeze %dma_wait3A_153 : memref<1x80x128xf32, #tpu.memory_space<hbm>> -> memref<80x128xf32, #tpu.memory_space<hbm>>
      tpu.wait_dma2 semaphore(%run_scoped3A : memref<!tpu.dma_semaphore, #tpu.memory_space<semaphore_mem>>) src(%arg10 : memref<80x128xf32, #tpu.memory_space<vmem>>) dst(%dma_wait3A_154 : memref<80x128xf32, #tpu.memory_space<hbm>>)
      tpu.yield
    }) : () -> ()
    "tpu.region"() ({
      %run_scoped3A = tpu.sem_alloc : memref<!tpu.dma_semaphore, #tpu.memory_space<semaphore_mem>>
      %dma_start3A = tpu.memref_slice %arg14[%add3A_141] : memref<10240xf32, #tpu.memory_space<vmem_shared>> -> memref<80xf32, #tpu.memory_space<vmem_shared>>
      %dma_start3A_145 = tpu.memref_slice %arg14[%add3A_141] : memref<10240xf32, #tpu.memory_space<vmem_shared>> -> memref<80xf32, #tpu.memory_space<vmem_shared>>
      tpu.enqueue_dma source(%dma_start3A_145 : memref<80xf32, #tpu.memory_space<vmem_shared>>) target(%arg12 : memref<80xf32, #tpu.memory_space<vmem>>) target_semaphore(%run_scoped3A : memref<!tpu.dma_semaphore, #tpu.memory_space<semaphore_mem>>)
      %dma_wait3A = tpu.memref_slice %arg14[%add3A_141] : memref<10240xf32, #tpu.memory_space<vmem_shared>> -> memref<80xf32, #tpu.memory_space<vmem_shared>>
      %dma_wait3A_146 = tpu.memref_slice %arg14[%add3A_141] : memref<10240xf32, #tpu.memory_space<vmem_shared>> -> memref<80xf32, #tpu.memory_space<vmem_shared>>
      tpu.wait_dma2 semaphore(%run_scoped3A : memref<!tpu.dma_semaphore, #tpu.memory_space<semaphore_mem>>) src(%dma_wait3A_146 : memref<80xf32, #tpu.memory_space<vmem_shared>>) dst(%arg12 : memref<80xf32, #tpu.memory_space<vmem>>)
      tpu.yield
    }) : () -> ()
    %mul3A_142 = arith.constant 10240 : i32
    %mul3A_143 = arith.muli %arg0, %mul3A_142 : i32
    %add3A_144 = arith.addi %mul3A_143, %add3A_141 : i32
    "tpu.region"() ({
      %run_scoped3A = tpu.sem_alloc : memref<!tpu.dma_semaphore, #tpu.memory_space<semaphore_mem>>
      %dma_start3A = tpu.memref_slice %arg7[%add3A_144] : memref<20480xf32, #tpu.memory_space<hbm>> -> memref<80xf32, #tpu.memory_space<hbm>>
      %dma_start3A_145 = tpu.memref_slice %arg7[%add3A_144] : memref<20480xf32, #tpu.memory_space<hbm>> -> memref<80xf32, #tpu.memory_space<hbm>>
      tpu.enqueue_dma source(%arg12 : memref<80xf32, #tpu.memory_space<vmem>>) target(%dma_start3A_145 : memref<80xf32, #tpu.memory_space<hbm>>) target_semaphore(%run_scoped3A : memref<!tpu.dma_semaphore, #tpu.memory_space<semaphore_mem>>)
      %dma_wait3A = tpu.memref_slice %arg7[%add3A_144] : memref<20480xf32, #tpu.memory_space<hbm>> -> memref<80xf32, #tpu.memory_space<hbm>>
      %dma_wait3A_146 = tpu.memref_slice %arg7[%add3A_144] : memref<20480xf32, #tpu.memory_space<hbm>> -> memref<80xf32, #tpu.memory_space<hbm>>
      tpu.wait_dma2 semaphore(%run_scoped3A : memref<!tpu.dma_semaphore, #tpu.memory_space<semaphore_mem>>) src(%arg12 : memref<80xf32, #tpu.memory_space<vmem>>) dst(%dma_wait3A_146 : memref<80xf32, #tpu.memory_space<hbm>>)
      tpu.yield
    }) : () -> ()
    return
  }
}

#map = affine_map<(d0, d1) -> (0, 0)>
#map1 = affine_map<(d0, d1) -> (0)>
module attributes {stable_mosaic.version = 14 : i64} {
  func.func @_gather_add(%arg0: i32, %arg1: i32, %arg2: memref<10000x128xf32, #tpu.memory_space<hbm>>, %arg3: memref<10000x128xf32, #tpu.memory_space<hbm>>, %arg4: memref<320000xi32, #tpu.memory_space<hbm>>, %arg5: memref<320000xi32, #tpu.memory_space<hbm>>, %arg6: memref<320000x128xf32, #tpu.memory_space<hbm>>, %arg7: memref<80xi32, #tpu.memory_space<vmem>>, %arg8: memref<80xi32, #tpu.memory_space<vmem>>, %arg9: memref<80x128xf32, #tpu.memory_space<vmem>>, %arg10: memref<80x128xf32, #tpu.memory_space<vmem>>, %arg11: memref<!tpu.dma_semaphore, #tpu.memory_space<semaphore_mem>>, %arg12: memref<!tpu.dma_semaphore, #tpu.memory_space<semaphore_mem>>) attributes {dimension_semantics = [#tpu.dimension_semantics<core_parallel>, #tpu.dimension_semantics<subcore_parallel>], iteration_bounds = array<i64: 2, 16>, scalar_prefetch = 0 : i64, scratch_operands = 6 : i64, tpu.core_type = #tpu.core_type<sc_vector_subcore>, window_params = [{transform_indices = #map}, {transform_indices = #map}, {transform_indices = #map1}, {transform_indices = #map1}, {transform_indices = #map}]} {
    %mul3A = arith.constant 2 : i32
    %mul3A_0 = arith.muli %arg1, %mul3A : i32
    %add3A = arith.addi %mul3A_0, %arg0 : i32
    %mul3A_1 = arith.constant 10000 : i32
    %mul3A_2 = arith.muli %add3A, %mul3A_1 : i32
    %scan3A = arith.constant 0 : i32
    %scan3A_3 = arith.constant 0 : i32
    %scan3A_4 = arith.constant 125 : i32
    %scan3A_5 = arith.addi %scan3A_3, %scan3A_4 : i32
    %scan3A_6 = arith.constant 1 : i32
    scf.for %scan3A_8 = %scan3A_3 to %scan3A_5 step %scan3A_6  : i32 {
      %mul3A_9 = arith.constant 80 : i32
      %mul3A_10 = arith.muli %scan3A_8, %mul3A_9 : i32
      %add3A_11 = arith.addi %mul3A_2, %mul3A_10 : i32
      "tpu.region"() ({
        %run_scoped3A = tpu.sem_alloc : memref<!tpu.dma_semaphore, #tpu.memory_space<semaphore_mem>>
        %dma_start3A_28 = tpu.memref_slice %arg4[%add3A_11] : memref<320000xi32, #tpu.memory_space<hbm>> -> memref<80xi32, #tpu.memory_space<hbm>>
        %dma_start3A_29 = tpu.memref_slice %arg4[%add3A_11] : memref<320000xi32, #tpu.memory_space<hbm>> -> memref<80xi32, #tpu.memory_space<hbm>>
        tpu.enqueue_dma source(%dma_start3A_29 : memref<80xi32, #tpu.memory_space<hbm>>) target(%arg7 : memref<80xi32, #tpu.memory_space<vmem>>) target_semaphore(%run_scoped3A : memref<!tpu.dma_semaphore, #tpu.memory_space<semaphore_mem>>)
        %dma_wait3A_30 = tpu.memref_slice %arg4[%add3A_11] : memref<320000xi32, #tpu.memory_space<hbm>> -> memref<80xi32, #tpu.memory_space<hbm>>
        %dma_wait3A_31 = tpu.memref_slice %arg4[%add3A_11] : memref<320000xi32, #tpu.memory_space<hbm>> -> memref<80xi32, #tpu.memory_space<hbm>>
        tpu.wait_dma2 semaphore(%run_scoped3A : memref<!tpu.dma_semaphore, #tpu.memory_space<semaphore_mem>>) src(%dma_wait3A_31 : memref<80xi32, #tpu.memory_space<hbm>>) dst(%arg7 : memref<80xi32, #tpu.memory_space<vmem>>)
        tpu.yield
      }) : () -> ()
      "tpu.region"() ({
        %run_scoped3A = tpu.sem_alloc : memref<!tpu.dma_semaphore, #tpu.memory_space<semaphore_mem>>
        %dma_start3A_28 = tpu.memref_slice %arg5[%add3A_11] : memref<320000xi32, #tpu.memory_space<hbm>> -> memref<80xi32, #tpu.memory_space<hbm>>
        %dma_start3A_29 = tpu.memref_slice %arg5[%add3A_11] : memref<320000xi32, #tpu.memory_space<hbm>> -> memref<80xi32, #tpu.memory_space<hbm>>
        tpu.enqueue_dma source(%dma_start3A_29 : memref<80xi32, #tpu.memory_space<hbm>>) target(%arg8 : memref<80xi32, #tpu.memory_space<vmem>>) target_semaphore(%run_scoped3A : memref<!tpu.dma_semaphore, #tpu.memory_space<semaphore_mem>>)
        %dma_wait3A_30 = tpu.memref_slice %arg5[%add3A_11] : memref<320000xi32, #tpu.memory_space<hbm>> -> memref<80xi32, #tpu.memory_space<hbm>>
        %dma_wait3A_31 = tpu.memref_slice %arg5[%add3A_11] : memref<320000xi32, #tpu.memory_space<hbm>> -> memref<80xi32, #tpu.memory_space<hbm>>
        tpu.wait_dma2 semaphore(%run_scoped3A : memref<!tpu.dma_semaphore, #tpu.memory_space<semaphore_mem>>) src(%dma_wait3A_31 : memref<80xi32, #tpu.memory_space<hbm>>) dst(%arg8 : memref<80xi32, #tpu.memory_space<vmem>>)
        tpu.yield
      }) : () -> ()
      %dma_start3A = arith.constant 0 : i32
      %dma_start3A_12 = arith.constant 0 : i32
      %dma_start3A_13 = tpu.memref_slice %arg2[%dma_start3A, %dma_start3A_12] : memref<10000x128xf32, #tpu.memory_space<hbm>> -> memref<10000x128xf32, #tpu.memory_space<hbm>>
      tpu.enqueue_indirect_dma source(%dma_start3A_13 : memref<10000x128xf32, #tpu.memory_space<hbm>>) target(%arg9 : memref<80x128xf32, #tpu.memory_space<vmem>>) offsets(%arg7 : memref<80xi32, #tpu.memory_space<vmem>>) semaphore(%arg11 : memref<!tpu.dma_semaphore, #tpu.memory_space<semaphore_mem>>)
      %dma_start3A_14 = arith.constant 0 : i32
      %dma_start3A_15 = arith.constant 0 : i32
      %dma_start3A_16 = tpu.memref_slice %arg3[%dma_start3A_14, %dma_start3A_15] : memref<10000x128xf32, #tpu.memory_space<hbm>> -> memref<10000x128xf32, #tpu.memory_space<hbm>>
      tpu.enqueue_indirect_dma source(%dma_start3A_16 : memref<10000x128xf32, #tpu.memory_space<hbm>>) target(%arg10 : memref<80x128xf32, #tpu.memory_space<vmem>>) offsets(%arg8 : memref<80xi32, #tpu.memory_space<vmem>>) semaphore(%arg12 : memref<!tpu.dma_semaphore, #tpu.memory_space<semaphore_mem>>)
      %dma_wait3A = arith.constant 0 : i32
      %dma_wait3A_17 = arith.constant 0 : i32
      %dma_wait3A_18 = tpu.memref_slice %arg2[%dma_wait3A, %dma_wait3A_17] : memref<10000x128xf32, #tpu.memory_space<hbm>> -> memref<10000x128xf32, #tpu.memory_space<hbm>>
      tpu.wait_indirect_dma semaphore(%arg11 : memref<!tpu.dma_semaphore, #tpu.memory_space<semaphore_mem>>) src(%dma_wait3A_18 : memref<10000x128xf32, #tpu.memory_space<hbm>>) dst(%arg9 : memref<80x128xf32, #tpu.memory_space<vmem>>)
      %dma_wait3A_19 = arith.constant 0 : i32
      %dma_wait3A_20 = arith.constant 0 : i32
      %dma_wait3A_21 = tpu.memref_slice %arg3[%dma_wait3A_19, %dma_wait3A_20] : memref<10000x128xf32, #tpu.memory_space<hbm>> -> memref<10000x128xf32, #tpu.memory_space<hbm>>
      tpu.wait_indirect_dma semaphore(%arg12 : memref<!tpu.dma_semaphore, #tpu.memory_space<semaphore_mem>>) src(%dma_wait3A_21 : memref<10000x128xf32, #tpu.memory_space<hbm>>) dst(%arg10 : memref<80x128xf32, #tpu.memory_space<vmem>>)
      %scan3A_22 = arith.constant 0 : i32
      %scan3A_23 = arith.constant 0 : i32
      %scan3A_24 = arith.constant 80 : i32
      %scan3A_25 = arith.addi %scan3A_23, %scan3A_24 : i32
      %scan3A_26 = arith.constant 1 : i32
      scf.for %scan3A_28 = %scan3A_23 to %scan3A_25 step %scan3A_26  : i32 {
        %get3A = arith.index_cast %scan3A_28 : i32 to index
        %get3A_29 = arith.constant 0 : index
        %get3A_30 = tpu.vector_load %arg9[%get3A, %get3A_29] {strides = array<i32>} : memref<80x128xf32, #tpu.memory_space<vmem>>, vector<1x16xf32>,
        %get3A_31 = vector.shape_cast %get3A_30 : vector<1x16xf32> to vector<16xf32>
        %get3A_32 = arith.index_cast %scan3A_28 : i32 to index
        %get3A_33 = arith.constant 0 : index
        %get3A_34 = tpu.vector_load %arg10[%get3A_32, %get3A_33] {strides = array<i32>} : memref<80x128xf32, #tpu.memory_space<vmem>>, vector<1x16xf32>,
        %get3A_35 = vector.shape_cast %get3A_34 : vector<1x16xf32> to vector<16xf32>
        %add3A_36 = arith.addf %get3A_31, %get3A_35 : vector<16xf32>
        %swap3A = arith.index_cast %scan3A_28 : i32 to index
        %swap3A_37 = arith.constant 0 : index
        %swap3A_38 = tpu.vector_load %arg9[%swap3A, %swap3A_37] {strides = array<i32>} : memref<80x128xf32, #tpu.memory_space<vmem>>, vector<1x16xf32>,
        %swap3A_39 = vector.shape_cast %swap3A_38 : vector<1x16xf32> to vector<16xf32>
        %swap3A_40 = vector.shape_cast %add3A_36 : vector<16xf32> to vector<1x16xf32>
        tpu.vector_store %arg9[%swap3A, %swap3A_37], %swap3A_40 {strides = array<i32>} : memref<80x128xf32, #tpu.memory_space<vmem>>, vector<1x16xf32>,
        %get3A_41 = arith.index_cast %scan3A_28 : i32 to index
        %get3A_42 = arith.constant 16 : index
        %get3A_43 = tpu.vector_load %arg9[%get3A_41, %get3A_42] {strides = array<i32>} : memref<80x128xf32, #tpu.memory_space<vmem>>, vector<1x16xf32>,
        %get3A_44 = vector.shape_cast %get3A_43 : vector<1x16xf32> to vector<16xf32>
        %get3A_45 = arith.index_cast %scan3A_28 : i32 to index
        %get3A_46 = arith.constant 16 : index
        %get3A_47 = tpu.vector_load %arg10[%get3A_45, %get3A_46] {strides = array<i32>} : memref<80x128xf32, #tpu.memory_space<vmem>>, vector<1x16xf32>,
        %get3A_48 = vector.shape_cast %get3A_47 : vector<1x16xf32> to vector<16xf32>
        %add3A_49 = arith.addf %get3A_44, %get3A_48 : vector<16xf32>
        %swap3A_50 = arith.index_cast %scan3A_28 : i32 to index
        %swap3A_51 = arith.constant 16 : index
        %swap3A_52 = tpu.vector_load %arg9[%swap3A_50, %swap3A_51] {strides = array<i32>} : memref<80x128xf32, #tpu.memory_space<vmem>>, vector<1x16xf32>,
        %swap3A_53 = vector.shape_cast %swap3A_52 : vector<1x16xf32> to vector<16xf32>
        %swap3A_54 = vector.shape_cast %add3A_49 : vector<16xf32> to vector<1x16xf32>
        tpu.vector_store %arg9[%swap3A_50, %swap3A_51], %swap3A_54 {strides = array<i32>} : memref<80x128xf32, #tpu.memory_space<vmem>>, vector<1x16xf32>,
        %get3A_55 = arith.index_cast %scan3A_28 : i32 to index
        %get3A_56 = arith.constant 32 : index
        %get3A_57 = tpu.vector_load %arg9[%get3A_55, %get3A_56] {strides = array<i32>} : memref<80x128xf32, #tpu.memory_space<vmem>>, vector<1x16xf32>,
        %get3A_58 = vector.shape_cast %get3A_57 : vector<1x16xf32> to vector<16xf32>
        %get3A_59 = arith.index_cast %scan3A_28 : i32 to index
        %get3A_60 = arith.constant 32 : index
        %get3A_61 = tpu.vector_load %arg10[%get3A_59, %get3A_60] {strides = array<i32>} : memref<80x128xf32, #tpu.memory_space<vmem>>, vector<1x16xf32>,
        %get3A_62 = vector.shape_cast %get3A_61 : vector<1x16xf32> to vector<16xf32>
        %add3A_63 = arith.addf %get3A_58, %get3A_62 : vector<16xf32>
        %swap3A_64 = arith.index_cast %scan3A_28 : i32 to index
        %swap3A_65 = arith.constant 32 : index
        %swap3A_66 = tpu.vector_load %arg9[%swap3A_64, %swap3A_65] {strides = array<i32>} : memref<80x128xf32, #tpu.memory_space<vmem>>, vector<1x16xf32>,
        %swap3A_67 = vector.shape_cast %swap3A_66 : vector<1x16xf32> to vector<16xf32>
        %swap3A_68 = vector.shape_cast %add3A_63 : vector<16xf32> to vector<1x16xf32>
        tpu.vector_store %arg9[%swap3A_64, %swap3A_65], %swap3A_68 {strides = array<i32>} : memref<80x128xf32, #tpu.memory_space<vmem>>, vector<1x16xf32>,
        %get3A_69 = arith.index_cast %scan3A_28 : i32 to index
        %get3A_70 = arith.constant 48 : index
        %get3A_71 = tpu.vector_load %arg9[%get3A_69, %get3A_70] {strides = array<i32>} : memref<80x128xf32, #tpu.memory_space<vmem>>, vector<1x16xf32>,
        %get3A_72 = vector.shape_cast %get3A_71 : vector<1x16xf32> to vector<16xf32>
        %get3A_73 = arith.index_cast %scan3A_28 : i32 to index
        %get3A_74 = arith.constant 48 : index
        %get3A_75 = tpu.vector_load %arg10[%get3A_73, %get3A_74] {strides = array<i32>} : memref<80x128xf32, #tpu.memory_space<vmem>>, vector<1x16xf32>,
        %get3A_76 = vector.shape_cast %get3A_75 : vector<1x16xf32> to vector<16xf32>
        %add3A_77 = arith.addf %get3A_72, %get3A_76 : vector<16xf32>
        %swap3A_78 = arith.index_cast %scan3A_28 : i32 to index
        %swap3A_79 = arith.constant 48 : index
        %swap3A_80 = tpu.vector_load %arg9[%swap3A_78, %swap3A_79] {strides = array<i32>} : memref<80x128xf32, #tpu.memory_space<vmem>>, vector<1x16xf32>,
        %swap3A_81 = vector.shape_cast %swap3A_80 : vector<1x16xf32> to vector<16xf32>
        %swap3A_82 = vector.shape_cast %add3A_77 : vector<16xf32> to vector<1x16xf32>
        tpu.vector_store %arg9[%swap3A_78, %swap3A_79], %swap3A_82 {strides = array<i32>} : memref<80x128xf32, #tpu.memory_space<vmem>>, vector<1x16xf32>,
        %get3A_83 = arith.index_cast %scan3A_28 : i32 to index
        %get3A_84 = arith.constant 64 : index
        %get3A_85 = tpu.vector_load %arg9[%get3A_83, %get3A_84] {strides = array<i32>} : memref<80x128xf32, #tpu.memory_space<vmem>>, vector<1x16xf32>,
        %get3A_86 = vector.shape_cast %get3A_85 : vector<1x16xf32> to vector<16xf32>
        %get3A_87 = arith.index_cast %scan3A_28 : i32 to index
        %get3A_88 = arith.constant 64 : index
        %get3A_89 = tpu.vector_load %arg10[%get3A_87, %get3A_88] {strides = array<i32>} : memref<80x128xf32, #tpu.memory_space<vmem>>, vector<1x16xf32>,
        %get3A_90 = vector.shape_cast %get3A_89 : vector<1x16xf32> to vector<16xf32>
        %add3A_91 = arith.addf %get3A_86, %get3A_90 : vector<16xf32>
        %swap3A_92 = arith.index_cast %scan3A_28 : i32 to index
        %swap3A_93 = arith.constant 64 : index
        %swap3A_94 = tpu.vector_load %arg9[%swap3A_92, %swap3A_93] {strides = array<i32>} : memref<80x128xf32, #tpu.memory_space<vmem>>, vector<1x16xf32>,
        %swap3A_95 = vector.shape_cast %swap3A_94 : vector<1x16xf32> to vector<16xf32>
        %swap3A_96 = vector.shape_cast %add3A_91 : vector<16xf32> to vector<1x16xf32>
        tpu.vector_store %arg9[%swap3A_92, %swap3A_93], %swap3A_96 {strides = array<i32>} : memref<80x128xf32, #tpu.memory_space<vmem>>, vector<1x16xf32>,
        %get3A_97 = arith.index_cast %scan3A_28 : i32 to index
        %get3A_98 = arith.constant 80 : index
        %get3A_99 = tpu.vector_load %arg9[%get3A_97, %get3A_98] {strides = array<i32>} : memref<80x128xf32, #tpu.memory_space<vmem>>, vector<1x16xf32>,
        %get3A_100 = vector.shape_cast %get3A_99 : vector<1x16xf32> to vector<16xf32>
        %get3A_101 = arith.index_cast %scan3A_28 : i32 to index
        %get3A_102 = arith.constant 80 : index
        %get3A_103 = tpu.vector_load %arg10[%get3A_101, %get3A_102] {strides = array<i32>} : memref<80x128xf32, #tpu.memory_space<vmem>>, vector<1x16xf32>,
        %get3A_104 = vector.shape_cast %get3A_103 : vector<1x16xf32> to vector<16xf32>
        %add3A_105 = arith.addf %get3A_100, %get3A_104 : vector<16xf32>
        %swap3A_106 = arith.index_cast %scan3A_28 : i32 to index
        %swap3A_107 = arith.constant 80 : index
        %swap3A_108 = tpu.vector_load %arg9[%swap3A_106, %swap3A_107] {strides = array<i32>} : memref<80x128xf32, #tpu.memory_space<vmem>>, vector<1x16xf32>,
        %swap3A_109 = vector.shape_cast %swap3A_108 : vector<1x16xf32> to vector<16xf32>
        %swap3A_110 = vector.shape_cast %add3A_105 : vector<16xf32> to vector<1x16xf32>
        tpu.vector_store %arg9[%swap3A_106, %swap3A_107], %swap3A_110 {strides = array<i32>} : memref<80x128xf32, #tpu.memory_space<vmem>>, vector<1x16xf32>,
        %get3A_111 = arith.index_cast %scan3A_28 : i32 to index
        %get3A_112 = arith.constant 96 : index
        %get3A_113 = tpu.vector_load %arg9[%get3A_111, %get3A_112] {strides = array<i32>} : memref<80x128xf32, #tpu.memory_space<vmem>>, vector<1x16xf32>,
        %get3A_114 = vector.shape_cast %get3A_113 : vector<1x16xf32> to vector<16xf32>
        %get3A_115 = arith.index_cast %scan3A_28 : i32 to index
        %get3A_116 = arith.constant 96 : index
        %get3A_117 = tpu.vector_load %arg10[%get3A_115, %get3A_116] {strides = array<i32>} : memref<80x128xf32, #tpu.memory_space<vmem>>, vector<1x16xf32>,
        %get3A_118 = vector.shape_cast %get3A_117 : vector<1x16xf32> to vector<16xf32>
        %add3A_119 = arith.addf %get3A_114, %get3A_118 : vector<16xf32>
        %swap3A_120 = arith.index_cast %scan3A_28 : i32 to index
        %swap3A_121 = arith.constant 96 : index
        %swap3A_122 = tpu.vector_load %arg9[%swap3A_120, %swap3A_121] {strides = array<i32>} : memref<80x128xf32, #tpu.memory_space<vmem>>, vector<1x16xf32>,
        %swap3A_123 = vector.shape_cast %swap3A_122 : vector<1x16xf32> to vector<16xf32>
        %swap3A_124 = vector.shape_cast %add3A_119 : vector<16xf32> to vector<1x16xf32>
        tpu.vector_store %arg9[%swap3A_120, %swap3A_121], %swap3A_124 {strides = array<i32>} : memref<80x128xf32, #tpu.memory_space<vmem>>, vector<1x16xf32>,
        %get3A_125 = arith.index_cast %scan3A_28 : i32 to index
        %get3A_126 = arith.constant 112 : index
        %get3A_127 = tpu.vector_load %arg9[%get3A_125, %get3A_126] {strides = array<i32>} : memref<80x128xf32, #tpu.memory_space<vmem>>, vector<1x16xf32>,
        %get3A_128 = vector.shape_cast %get3A_127 : vector<1x16xf32> to vector<16xf32>
        %get3A_129 = arith.index_cast %scan3A_28 : i32 to index
        %get3A_130 = arith.constant 112 : index
        %get3A_131 = tpu.vector_load %arg10[%get3A_129, %get3A_130] {strides = array<i32>} : memref<80x128xf32, #tpu.memory_space<vmem>>, vector<1x16xf32>,
        %get3A_132 = vector.shape_cast %get3A_131 : vector<1x16xf32> to vector<16xf32>
        %add3A_133 = arith.addf %get3A_128, %get3A_132 : vector<16xf32>
        %swap3A_134 = arith.index_cast %scan3A_28 : i32 to index
        %swap3A_135 = arith.constant 112 : index
        %swap3A_136 = tpu.vector_load %arg9[%swap3A_134, %swap3A_135] {strides = array<i32>} : memref<80x128xf32, #tpu.memory_space<vmem>>, vector<1x16xf32>,
        %swap3A_137 = vector.shape_cast %swap3A_136 : vector<1x16xf32> to vector<16xf32>
        %swap3A_138 = vector.shape_cast %add3A_133 : vector<16xf32> to vector<1x16xf32>
        tpu.vector_store %arg9[%swap3A_134, %swap3A_135], %swap3A_138 {strides = array<i32>} : memref<80x128xf32, #tpu.memory_space<vmem>>, vector<1x16xf32>,
      }
      %scan3A_27 = arith.constant 80 : i32
      "tpu.region"() ({
        %run_scoped3A = tpu.sem_alloc : memref<!tpu.dma_semaphore, #tpu.memory_space<semaphore_mem>>
        %dma_start3A_28 = arith.constant 0 : i32
        %dma_start3A_29 = tpu.memref_slice %arg6[%add3A_11, %dma_start3A_28] : memref<320000x128xf32, #tpu.memory_space<hbm>> -> memref<80x128xf32, #tpu.memory_space<hbm>>
        %dma_start3A_30 = arith.constant 0 : i32
        %dma_start3A_31 = tpu.memref_slice %arg6[%add3A_11, %dma_start3A_30] : memref<320000x128xf32, #tpu.memory_space<hbm>> -> memref<80x128xf32, #tpu.memory_space<hbm>>
        tpu.enqueue_dma source(%arg9 : memref<80x128xf32, #tpu.memory_space<vmem>>) target(%dma_start3A_31 : memref<80x128xf32, #tpu.memory_space<hbm>>) target_semaphore(%run_scoped3A : memref<!tpu.dma_semaphore, #tpu.memory_space<semaphore_mem>>)
        %dma_wait3A_32 = arith.constant 0 : i32
        %dma_wait3A_33 = tpu.memref_slice %arg6[%add3A_11, %dma_wait3A_32] : memref<320000x128xf32, #tpu.memory_space<hbm>> -> memref<80x128xf32, #tpu.memory_space<hbm>>
        %dma_wait3A_34 = arith.constant 0 : i32
        %dma_wait3A_35 = tpu.memref_slice %arg6[%add3A_11, %dma_wait3A_34] : memref<320000x128xf32, #tpu.memory_space<hbm>> -> memref<80x128xf32, #tpu.memory_space<hbm>>
        tpu.wait_dma2 semaphore(%run_scoped3A : memref<!tpu.dma_semaphore, #tpu.memory_space<semaphore_mem>>) src(%arg9 : memref<80x128xf32, #tpu.memory_space<vmem>>) dst(%dma_wait3A_35 : memref<80x128xf32, #tpu.memory_space<hbm>>)
        tpu.yield
      }) : () -> ()
    }
    %scan3A_7 = arith.constant 125 : i32
    return
  }
}

module attributes {stable_mosaic.version = 14 : i64} {
  func.func @_proj_body(%arg0: memref<10000x128xf32, #tpu.memory_space<vmem>>, %arg1: memref<128x128xf32, #tpu.memory_space<vmem>>, %arg2: memref<128x128xf32, #tpu.memory_space<vmem>>, %arg3: memref<10000x128xf32, #tpu.memory_space<vmem>>, %arg4: memref<10000x128xf32, #tpu.memory_space<vmem>>) attributes {dimension_semantics = [], scalar_prefetch = 0 : i64, scratch_operands = 0 : i64, tpu.core_type = #tpu.core_type<tc>} {
    %get3A = arith.constant 0 : index
    %get3A_0 = arith.constant 0 : index
    %get3A_1 = vector.load %arg0[%get3A, %get3A_0] : memref<10000x128xf32, #tpu.memory_space<vmem>>, vector<10000x128xf32>
    %get3A_2 = arith.constant 0 : index
    %get3A_3 = arith.constant 0 : index
    %get3A_4 = vector.load %arg1[%get3A_2, %get3A_3] : memref<128x128xf32, #tpu.memory_space<vmem>>, vector<128x128xf32>
    %dot_general3A = arith.constant dense<0.000000e+00> : vector<10000x128xf32>
    %dot_general3A_5 = tpu.matmul %get3A_1, %get3A_4, %dot_general3A {dimension_numbers = #tpu.dot_dimension_numbers<[1], [0], [0], [1], [0, 0, 1, 1], [], []>, transpose_lhs_hint = false} : vector<10000x128xf32>, vector<128x128xf32>, vector<10000x128xf32> -> vector<10000x128xf32>
    %swap3A = arith.constant 0 : index
    %swap3A_6 = arith.constant 0 : index
    %swap3A_7 = vector.load %arg3[%swap3A, %swap3A_6] : memref<10000x128xf32, #tpu.memory_space<vmem>>, vector<10000x128xf32>
    tpu.vector_store %arg3[%swap3A, %swap3A_6], %dot_general3A_5 {strides = array<i32>} : memref<10000x128xf32, #tpu.memory_space<vmem>>, vector<10000x128xf32>,
    %get3A_8 = arith.constant 0 : index
    %get3A_9 = arith.constant 0 : index
    %get3A_10 = vector.load %arg2[%get3A_8, %get3A_9] : memref<128x128xf32, #tpu.memory_space<vmem>>, vector<128x128xf32>
    %dot_general3A_11 = arith.constant dense<0.000000e+00> : vector<10000x128xf32>
    %dot_general3A_12 = tpu.matmul %get3A_1, %get3A_10, %dot_general3A_11 {dimension_numbers = #tpu.dot_dimension_numbers<[1], [0], [0], [1], [0, 0, 1, 1], [], []>, transpose_lhs_hint = false} : vector<10000x128xf32>, vector<128x128xf32>, vector<10000x128xf32> -> vector<10000x128xf32>
    %swap3A_13 = arith.constant 0 : index
    %swap3A_14 = arith.constant 0 : index
    %swap3A_15 = vector.load %arg4[%swap3A_13, %swap3A_14] : memref<10000x128xf32, #tpu.memory_space<vmem>>, vector<10000x128xf32>
    tpu.vector_store %arg4[%swap3A_13, %swap3A_14], %dot_general3A_12 {strides = array<i32>} : memref<10000x128xf32, #tpu.memory_space<vmem>>, vector<10000x128xf32>,
    return
  }
}

module attributes {stable_mosaic.version = 14 : i64} {
  func.func @_edge_mlp_body(%arg0: i32, %arg1: memref<2000x128xf32, #tpu.memory_space<vmem>>, %arg2: memref<2000x128xf32, #tpu.memory_space<vmem>>, %arg3: memref<128x128xf32, #tpu.memory_space<vmem>>, %arg4: memref<1x128xf32, #tpu.memory_space<vmem>>, %arg5: memref<128x384xf32, #tpu.memory_space<vmem>>, %arg6: memref<1x384xf32, #tpu.memory_space<vmem>>, %arg7: memref<2000x128xf32, #tpu.memory_space<vmem>>, %arg8: memref<2000x128xf32, #tpu.memory_space<vmem>>, %arg9: memref<2000x128xf32, #tpu.memory_space<vmem>>) attributes {dimension_semantics = [#tpu.dimension_semantics<arbitrary>], iteration_bounds = array<i64: 160>, scalar_prefetch = 0 : i64, scratch_operands = 0 : i64, tpu.core_type = #tpu.core_type<tc>, window_params = [{transform_indices = @transform_0, window_bounds = array<i64: 2000, 128>}, {transform_indices = @transform_1, window_bounds = array<i64: 2000, 128>}, {pipeline_mode = #tpu.pipeline_mode<synchronous>, transform_indices = @transform_2, window_bounds = array<i64: 128, 128>}, {pipeline_mode = #tpu.pipeline_mode<synchronous>, transform_indices = @transform_3, window_bounds = array<i64: 1, 128>}, {pipeline_mode = #tpu.pipeline_mode<synchronous>, transform_indices = @transform_4, window_bounds = array<i64: 128, 384>}, {pipeline_mode = #tpu.pipeline_mode<synchronous>, transform_indices = @transform_5, window_bounds = array<i64: 1, 384>}, {transform_indices = @transform_6, window_bounds = array<i64: 2000, 128>}, {transform_indices = @transform_7, window_bounds = array<i64: 2000, 128>}, {transform_indices = @transform_8, window_bounds = array<i64: 2000, 128>}]} {
    %get3A = arith.constant 0 : index
    %get3A_0 = arith.constant 0 : index
    %get3A_1 = vector.load %arg1[%get3A, %get3A_0] : memref<2000x128xf32, #tpu.memory_space<vmem>>, vector<2000x128xf32>
    %get3A_2 = arith.constant 0 : index
    %get3A_3 = arith.constant 0 : index
    %get3A_4 = vector.load %arg2[%get3A_2, %get3A_3] : memref<2000x128xf32, #tpu.memory_space<vmem>>, vector<2000x128xf32>
    %get3A_5 = arith.constant 0 : index
    %get3A_6 = arith.constant 0 : index
    %get3A_7 = vector.load %arg3[%get3A_5, %get3A_6] : memref<128x128xf32, #tpu.memory_space<vmem>>, vector<128x128xf32>
    %dot_general3A = arith.constant dense<0.000000e+00> : vector<2000x128xf32>
    %dot_general3A_8 = tpu.matmul %get3A_4, %get3A_7, %dot_general3A {dimension_numbers = #tpu.dot_dimension_numbers<[1], [0], [0], [1], [0, 0, 1, 1], [], []>, transpose_lhs_hint = false} : vector<2000x128xf32>, vector<128x128xf32>, vector<2000x128xf32> -> vector<2000x128xf32>
    %add3A = arith.addf %get3A_1, %dot_general3A_8 : vector<2000x128xf32>
    %get3A_9 = arith.constant 0 : index
    %get3A_10 = arith.constant 0 : index
    %get3A_11 = vector.load %arg4[%get3A_9, %get3A_10] : memref<1x128xf32, #tpu.memory_space<vmem>>, vector<1x128xf32>
    %add3A_12 = vector.broadcast %get3A_11 : vector<1x128xf32> to vector<2000x128xf32>
    %add3A_13 = arith.addf %add3A, %add3A_12 : vector<2000x128xf32>
    %max3A = arith.constant 0.000000e+00 : f32
    %max3A_14 = vector.broadcast %max3A : f32 to vector<2000x128xf32>
    %max3A_15 = arith.maximumf %add3A_13, %max3A_14 : vector<2000x128xf32>
    %get3A_16 = arith.constant 0 : index
    %get3A_17 = arith.constant 0 : index
    %get3A_18 = vector.load %arg5[%get3A_16, %get3A_17] : memref<128x384xf32, #tpu.memory_space<vmem>>, vector<128x384xf32>
    %dot_general3A_19 = arith.constant dense<0.000000e+00> : vector<2000x384xf32>
    %dot_general3A_20 = tpu.matmul %max3A_15, %get3A_18, %dot_general3A_19 {dimension_numbers = #tpu.dot_dimension_numbers<[1], [0], [0], [1], [0, 0, 1, 1], [], []>, transpose_lhs_hint = false} : vector<2000x128xf32>, vector<128x384xf32>, vector<2000x384xf32> -> vector<2000x384xf32>
    %get3A_21 = arith.constant 0 : index
    %get3A_22 = arith.constant 0 : index
    %get3A_23 = vector.load %arg6[%get3A_21, %get3A_22] : memref<1x384xf32, #tpu.memory_space<vmem>>, vector<1x384xf32>
    %add3A_24 = vector.broadcast %get3A_23 : vector<1x384xf32> to vector<2000x384xf32>
    %add3A_25 = arith.addf %dot_general3A_20, %add3A_24 : vector<2000x384xf32>
    %max3A_26 = arith.constant 0.000000e+00 : f32
    %max3A_27 = vector.broadcast %max3A_26 : f32 to vector<2000x384xf32>
    %max3A_28 = arith.maximumf %add3A_25, %max3A_27 : vector<2000x384xf32>
    %slice3A = vector.extract_strided_slice %max3A_28 {offsets = [0, 0], sizes = [2000, 128], strides = [1, 1]} : vector<2000x384xf32> to vector<2000x128xf32>
    %swap3A = arith.constant 0 : index
    %swap3A_29 = arith.constant 0 : index
    %swap3A_30 = vector.load %arg7[%swap3A, %swap3A_29] : memref<2000x128xf32, #tpu.memory_space<vmem>>, vector<2000x128xf32>
    tpu.vector_store %arg7[%swap3A, %swap3A_29], %slice3A {strides = array<i32>} : memref<2000x128xf32, #tpu.memory_space<vmem>>, vector<2000x128xf32>,
    %slice3A_31 = vector.extract_strided_slice %max3A_28 {offsets = [0, 128], sizes = [2000, 128], strides = [1, 1]} : vector<2000x384xf32> to vector<2000x128xf32>
    %swap3A_32 = arith.constant 0 : index
    %swap3A_33 = arith.constant 0 : index
    %swap3A_34 = vector.load %arg8[%swap3A_32, %swap3A_33] : memref<2000x128xf32, #tpu.memory_space<vmem>>, vector<2000x128xf32>
    tpu.vector_store %arg8[%swap3A_32, %swap3A_33], %slice3A_31 {strides = array<i32>} : memref<2000x128xf32, #tpu.memory_space<vmem>>, vector<2000x128xf32>,
    %slice3A_35 = vector.extract_strided_slice %max3A_28 {offsets = [0, 256], sizes = [2000, 128], strides = [1, 1]} : vector<2000x384xf32> to vector<2000x128xf32>
    %swap3A_36 = arith.constant 0 : index
    %swap3A_37 = arith.constant 0 : index
    %swap3A_38 = vector.load %arg9[%swap3A_36, %swap3A_37] : memref<2000x128xf32, #tpu.memory_space<vmem>>, vector<2000x128xf32>
    tpu.vector_store %arg9[%swap3A_36, %swap3A_37], %slice3A_35 {strides = array<i32>} : memref<2000x128xf32, #tpu.memory_space<vmem>>, vector<2000x128xf32>,
    return
  }
  func.func @transform_0(%arg0: i32) -> (i32, i32) {
    %c0_i32 = arith.constant 0 : i32
    %c0_i32_0 = arith.constant 0 : i32
    return %arg0, %c0_i32 : i32, i32
  }
  func.func @transform_1(%arg0: i32) -> (i32, i32) {
    %c0_i32 = arith.constant 0 : i32
    %c0_i32_0 = arith.constant 0 : i32
    return %arg0, %c0_i32 : i32, i32
  }
  func.func @transform_2(%arg0: i32) -> (i32, i32) {
    %c0_i32 = arith.constant 0 : i32
    %c0_i32_0 = arith.constant 0 : i32
    %c0_i32_1 = arith.constant 0 : i32
    return %c0_i32, %c0_i32_0 : i32, i32
  }
  func.func @transform_3(%arg0: i32) -> (i32, i32) {
    %c0_i32 = arith.constant 0 : i32
    %c0_i32_0 = arith.constant 0 : i32
    %c0_i32_1 = arith.constant 0 : i32
    return %c0_i32, %c0_i32_0 : i32, i32
  }
  func.func @transform_4(%arg0: i32) -> (i32, i32) {
    %c0_i32 = arith.constant 0 : i32
    %c0_i32_0 = arith.constant 0 : i32
    %c0_i32_1 = arith.constant 0 : i32
    return %c0_i32, %c0_i32_0 : i32, i32
  }
  func.func @transform_5(%arg0: i32) -> (i32, i32) {
    %c0_i32 = arith.constant 0 : i32
    %c0_i32_0 = arith.constant 0 : i32
    %c0_i32_1 = arith.constant 0 : i32
    return %c0_i32, %c0_i32_0 : i32, i32
  }
  func.func @transform_6(%arg0: i32) -> (i32, i32) {
    %c0_i32 = arith.constant 0 : i32
    %c0_i32_0 = arith.constant 0 : i32
    return %arg0, %c0_i32 : i32, i32
  }
  func.func @transform_7(%arg0: i32) -> (i32, i32) {
    %c0_i32 = arith.constant 0 : i32
    %c0_i32_0 = arith.constant 0 : i32
    return %arg0, %c0_i32 : i32, i32
  }
  func.func @transform_8(%arg0: i32) -> (i32, i32) {
    %c0_i32 = arith.constant 0 : i32
    %c0_i32_0 = arith.constant 0 : i32
    return %arg0, %c0_i32 : i32, i32
  }
}

module attributes {stable_mosaic.version = 14 : i64} {
  func.func @_node_mlp_body(%arg0: i32, %arg1: memref<2x2000x128xf32, #tpu.memory_space<vmem>>, %arg2: memref<2x2000x1xf32, #tpu.memory_space<vmem>>, %arg3: memref<128x128xf32, #tpu.memory_space<vmem>>, %arg4: memref<1x128xf32, #tpu.memory_space<vmem>>, %arg5: memref<128x128xf32, #tpu.memory_space<vmem>>, %arg6: memref<1x128xf32, #tpu.memory_space<vmem>>, %arg7: memref<2000x128xf32, #tpu.memory_space<vmem>>) attributes {dimension_semantics = [#tpu.dimension_semantics<arbitrary>], iteration_bounds = array<i64: 5>, scalar_prefetch = 0 : i64, scratch_operands = 0 : i64, tpu.core_type = #tpu.core_type<tc>, window_params = [{transform_indices = @transform_0, window_bounds = array<i64: 2, 2000, 128>}, {transform_indices = @transform_1, window_bounds = array<i64: 2, 2000, 1>}, {pipeline_mode = #tpu.pipeline_mode<synchronous>, transform_indices = @transform_2, window_bounds = array<i64: 128, 128>}, {pipeline_mode = #tpu.pipeline_mode<synchronous>, transform_indices = @transform_3, window_bounds = array<i64: 1, 128>}, {pipeline_mode = #tpu.pipeline_mode<synchronous>, transform_indices = @transform_4, window_bounds = array<i64: 128, 128>}, {pipeline_mode = #tpu.pipeline_mode<synchronous>, transform_indices = @transform_5, window_bounds = array<i64: 1, 128>}, {transform_indices = @transform_6, window_bounds = array<i64: 2000, 128>}]} {
    %get3A = arith.constant 0 : index
    %get3A_0 = arith.constant 0 : index
    %get3A_1 = arith.constant 0 : index
    %get3A_2 = vector.load %arg1[%get3A, %get3A_0, %get3A_1] : memref<2x2000x128xf32, #tpu.memory_space<vmem>>, vector<1x2000x128xf32>
    %get3A_3 = vector.shape_cast %get3A_2 : vector<1x2000x128xf32> to vector<2000x128xf32>
    %get3A_4 = arith.constant 1 : index
    %get3A_5 = arith.constant 0 : index
    %get3A_6 = arith.constant 0 : index
    %get3A_7 = vector.load %arg1[%get3A_4, %get3A_5, %get3A_6] : memref<2x2000x128xf32, #tpu.memory_space<vmem>>, vector<1x2000x128xf32>
    %get3A_8 = vector.shape_cast %get3A_7 : vector<1x2000x128xf32> to vector<2000x128xf32>
    %add3A = arith.addf %get3A_3, %get3A_8 : vector<2000x128xf32>
    %get3A_9 = arith.constant 0 : index
    %get3A_10 = arith.constant 0 : index
    %get3A_11 = arith.constant 0 : index
    %get3A_12 = vector.load %arg2[%get3A_9, %get3A_10, %get3A_11] : memref<2x2000x1xf32, #tpu.memory_space<vmem>>, vector<1x2000x1xf32>
    %get3A_13 = vector.shape_cast %get3A_12 : vector<1x2000x1xf32> to vector<2000x1xf32>
    %get3A_14 = arith.constant 1 : index
    %get3A_15 = arith.constant 0 : index
    %get3A_16 = arith.constant 0 : index
    %get3A_17 = vector.load %arg2[%get3A_14, %get3A_15, %get3A_16] : memref<2x2000x1xf32, #tpu.memory_space<vmem>>, vector<1x2000x1xf32>
    %get3A_18 = vector.shape_cast %get3A_17 : vector<1x2000x1xf32> to vector<2000x1xf32>
    %add3A_19 = arith.addf %get3A_13, %get3A_18 : vector<2000x1xf32>
    %jit3A = arith.constant 1.000000e+00 : f32
    %jit3A_20 = arith.constant 1.000000e+03 : f32
    %max3A = vector.broadcast %jit3A : f32 to vector<2000x1xf32>
    %max3A_21 = arith.maximumf %max3A, %add3A_19 : vector<2000x1xf32>
    %min3A = vector.broadcast %jit3A_20 : f32 to vector<2000x1xf32>
    %min3A_22 = arith.minimumf %min3A, %max3A_21 : vector<2000x1xf32>
    %div3A = vector.broadcast %min3A_22 : vector<2000x1xf32> to vector<2000x128xf32>
    %div3A_23 = arith.divf %add3A, %div3A : vector<2000x128xf32>
    %get3A_24 = arith.constant 0 : index
    %get3A_25 = arith.constant 0 : index
    %get3A_26 = vector.load %arg3[%get3A_24, %get3A_25] : memref<128x128xf32, #tpu.memory_space<vmem>>, vector<128x128xf32>
    %dot_general3A = arith.constant dense<0.000000e+00> : vector<2000x128xf32>
    %dot_general3A_27 = tpu.matmul %div3A_23, %get3A_26, %dot_general3A {dimension_numbers = #tpu.dot_dimension_numbers<[1], [0], [0], [1], [0, 0, 1, 1], [], []>, transpose_lhs_hint = false} : vector<2000x128xf32>, vector<128x128xf32>, vector<2000x128xf32> -> vector<2000x128xf32>
    %get3A_28 = arith.constant 0 : index
    %get3A_29 = arith.constant 0 : index
    %get3A_30 = vector.load %arg4[%get3A_28, %get3A_29] : memref<1x128xf32, #tpu.memory_space<vmem>>, vector<1x128xf32>
    %add3A_31 = vector.broadcast %get3A_30 : vector<1x128xf32> to vector<2000x128xf32>
    %add3A_32 = arith.addf %dot_general3A_27, %add3A_31 : vector<2000x128xf32>
    %max3A_33 = arith.constant 0.000000e+00 : f32
    %max3A_34 = vector.broadcast %max3A_33 : f32 to vector<2000x128xf32>
    %max3A_35 = arith.maximumf %add3A_32, %max3A_34 : vector<2000x128xf32>
    %get3A_36 = arith.constant 0 : index
    %get3A_37 = arith.constant 0 : index
    %get3A_38 = vector.load %arg5[%get3A_36, %get3A_37] : memref<128x128xf32, #tpu.memory_space<vmem>>, vector<128x128xf32>
    %dot_general3A_39 = arith.constant dense<0.000000e+00> : vector<2000x128xf32>
    %dot_general3A_40 = tpu.matmul %max3A_35, %get3A_38, %dot_general3A_39 {dimension_numbers = #tpu.dot_dimension_numbers<[1], [0], [0], [1], [0, 0, 1, 1], [], []>, transpose_lhs_hint = false} : vector<2000x128xf32>, vector<128x128xf32>, vector<2000x128xf32> -> vector<2000x128xf32>
    %get3A_41 = arith.constant 0 : index
    %get3A_42 = arith.constant 0 : index
    %get3A_43 = vector.load %arg6[%get3A_41, %get3A_42] : memref<1x128xf32, #tpu.memory_space<vmem>>, vector<1x128xf32>
    %add3A_44 = vector.broadcast %get3A_43 : vector<1x128xf32> to vector<2000x128xf32>
    %add3A_45 = arith.addf %dot_general3A_40, %add3A_44 : vector<2000x128xf32>
    %max3A_46 = arith.constant 0.000000e+00 : f32
    %max3A_47 = vector.broadcast %max3A_46 : f32 to vector<2000x128xf32>
    %max3A_48 = arith.maximumf %add3A_45, %max3A_47 : vector<2000x128xf32>
    %swap3A = arith.constant 0 : index
    %swap3A_49 = arith.constant 0 : index
    %swap3A_50 = vector.load %arg7[%swap3A, %swap3A_49] : memref<2000x128xf32, #tpu.memory_space<vmem>>, vector<2000x128xf32>
    tpu.vector_store %arg7[%swap3A, %swap3A_49], %max3A_48 {strides = array<i32>} : memref<2000x128xf32, #tpu.memory_space<vmem>>, vector<2000x128xf32>,
    return
  }
  func.func @transform_0(%arg0: i32) -> (i32, i32, i32) {
    %c0_i32 = arith.constant 0 : i32
    %c0_i32_0 = arith.constant 0 : i32
    %c0_i32_1 = arith.constant 0 : i32
    return %c0_i32, %arg0, %c0_i32_0 : i32, i32, i32
  }
  func.func @transform_1(%arg0: i32) -> (i32, i32, i32) {
    %c0_i32 = arith.constant 0 : i32
    %c0_i32_0 = arith.constant 0 : i32
    %c0_i32_1 = arith.constant 0 : i32
    return %c0_i32, %arg0, %c0_i32_0 : i32, i32, i32
  }
  func.func @transform_2(%arg0: i32) -> (i32, i32) {
    %c0_i32 = arith.constant 0 : i32
    %c0_i32_0 = arith.constant 0 : i32
    %c0_i32_1 = arith.constant 0 : i32
    return %c0_i32, %c0_i32_0 : i32, i32
  }
  func.func @transform_3(%arg0: i32) -> (i32, i32) {
    %c0_i32 = arith.constant 0 : i32
    %c0_i32_0 = arith.constant 0 : i32
    %c0_i32_1 = arith.constant 0 : i32
    return %c0_i32, %c0_i32_0 : i32, i32
  }
  func.func @transform_4(%arg0: i32) -> (i32, i32) {
    %c0_i32 = arith.constant 0 : i32
    %c0_i32_0 = arith.constant 0 : i32
    %c0_i32_1 = arith.constant 0 : i32
    return %c0_i32, %c0_i32_0 : i32, i32
  }
  func.func @transform_5(%arg0: i32) -> (i32, i32) {
    %c0_i32 = arith.constant 0 : i32
    %c0_i32_0 = arith.constant 0 : i32
    %c0_i32_1 = arith.constant 0 : i32
    return %c0_i32, %c0_i32_0 : i32, i32
  }
  func.func @transform_6(%arg0: i32) -> (i32, i32) {
    %c0_i32 = arith.constant 0 : i32
    %c0_i32_0 = arith.constant 0 : i32
    return %arg0, %c0_i32 : i32, i32
  }
}

</mosaic_0001>

<sc_bundles>
// kernel: kernel.10.cloned.1.call-start
scs
__scs_entry_jumppad:
0x0: {  	(pc) =	sbr.rel $0x88, $3  }
0x1: {  	(tag) =	ssettag $0x0;
	lr =	simm.s32 $0x1  }
0x2: {  	[smem:$0x3F96] =	sst lr;
	_ =	strace $0xD0000000  }
0x3: {  	_ = 	snop  }
0x4: {  	_ = 	snop  }
0x5: {  	_ = 	snop  }
0x6: {  	_ = 	snop  }
0x7: {  	_ = 	snop  }
__scs_overlays_trampoline_lowered:
0x8: {  	[smem:$0x3FA5] =	sst s0  }
0x9: {  	[smem:$0x3FA6] =	sst s1  }
0xa: {  	[smem:$0x3FA7] =	sst s2  }
0xb: {  	[smem:$0x3FA8] =	sst s3  }
0xc: {  	[smem:$0x3FA9] =	sst s4  }
0xd: {  	[smem:$0x3FAA] =	sst s5  }
0xe: {  	[smem:$0x3FAB] =	sst s6  }
0xf: {  	[smem:$0x3FAC] =	sst s7  }
0x10: {  	[smem:$0x3FAD] =	sst s8  }
0x11: {  	[smem:$0x3FAE] =	sst s9;
	s0 =	simm.s32 @!p0 $0x0  }
0x12: {  	s1 =	sld [smem:$0x3F94];
	s0 =	simm.s32 @p0 $0x1  }
0x13: {  	[smem:$0x3FAF] =	sst s0;
	s0 =	simm.s32 @!p1 $0x0  }
0x14: {  	s2 =	sld [smem:$0x3F93];
	s0 =	simm.s32 @p1 $0x1  }
0x15: {  	[smem:$0x3FB0] =	sst s0;
	s0 =	simm.s32 @!p2 $0x0  }
0x16: {  	s3 =	sld [smem:$0x3FDB];
	s0 =	simm.s32 @p2 $0x1  }
0x17: {  	s4 =	simm.s32 $0x1BF5;
	[smem:$0x3FB2] =	sst s0  }
0x18: {  	s0 =	sld [smem:$0x3F95];
	_ =	swait.ge [sflag:s4], $0x0  }
0x19: {  	s7 =	sld [smem:$0x3F96]  }
0x1a: {  	s8 =	sadd.s32 $0xFFFFE003, lr  }
0x1b: {  	s9 =	sadd.s32 $0xFFFFFEF7, lr;
	s5 =	simm.s32 $0xFFFFFFFF;
	p2 =	slt.u32 s8, $0xFFFFF086  }
0x1c: {  	p1 =	slt.u32 s9, $0xF7A;
	s5 =	simm.s32 @!p2 $0x0  }
0x1d: {  	s5 =	simm.s32 @p1 $0x1;
	p0 =	seq.s32 s7, s2  }
0x1e: {  	s7 =	smul.u32 @!p0 $0xF7A, s2;
	p2 =	seq.s32 @!p0 s5, $0x0  }
0x1f: {  	s9 =	smul.u32 $0xF7A, s1;
	s8 =	simm.s32 @!p0 $0x1BF5;
	p2 =	por !p2, p0  }
0x20: {  	[sflag:s8] =	ssyncset.s32 @!p0 $0xFFFFF086;
	s6 =	sadd.s32 @!p0 s3, s7;
	s7 =	simm.s32 @!p0 $0x108  }
0x21: {  	s3 =	sadd.s32 s3, s9;
	s6 =	sadd.s32 @!p0 $0x88, s6;
	s7 =	simm.s32 @p2 $0x1082  }
0x22: {  	[simem:s7], [sflag:s8] =	dma.local @!p0 [hbm:s6], $0xF7A  }
0x23: {  	s9 =	sor.u32 $0xD0000000, s2;
	s6 =	simm.s32 $0x108;
	_ =	swait.ge @!p0 [sflag:s8], $0x0  }
0x24: {  	s3 =	sadd.s32 $0x88, s3;
	s6 =	simm.s32 @!p1 $0x1082;
	[sflag:s4] =	ssyncset.s32 $0xFFFFF086  }
0x25: {  	[simem:s6], [sflag:s4] =	dma.local [hbm:s3], $0xF7A  }
0x26: {  	[smem:$0x3F96] =	sst s1;
	(tag) =	ssettag s2;
	_ =	strace s9  }
0x27: {  	s1 =	sld [smem:$0x3FA6]  }
0x28: {  	s2 =	sld [smem:$0x3FA7]  }
0x29: {  	s4 =	sld [smem:$0x3FA9]  }
0x2a: {  	p0 =	seq.s32 s5, $0x0;
	s5 =	sld [smem:$0x3FAA]  }
0x2b: {  	s6 =	sld [smem:$0x3FAB]  }
0x2c: {  	s7 =	sld [smem:$0x3FAC]  }
0x2d: {  	s3 =	simm.s32 $0x108;
	s8 =	sld [smem:$0x3FAD]  }
0x2e: {  	s3 =	simm.s32 @!p0 $0x1082;
	s9 =	sld [smem:$0x3FAE]  }
0x2f: {  	lr =	sadd.s32 s0, s3;
	s0 =	sld [smem:$0x3FA5]  }
0x30: {  	s3 =	sld [smem:$0x3FA8]  }
0x31: {  	[smem:$0x3FB1] =	sst s10  }
0x32: {  	s10 =	sld [smem:$0x3FAF];
	_ =	sdelay $0x3  }
0x33: {  	p0 =	seq.s32 s10, $0x1;
	s10 =	sld [smem:$0x3FB1];
	_ =	sdelay $0x3  }
0x34: {  	[smem:$0x3FB1] =	sst s10  }
0x35: {  	s10 =	sld [smem:$0x3FB0];
	_ =	sdelay $0x3  }
0x36: {  	p1 =	seq.s32 s10, $0x1;
	s10 =	sld [smem:$0x3FB1];
	_ =	sdelay $0x3  }
0x37: {  	[smem:$0x3FB1] =	sst s10  }
0x38: {  	s10 =	sld [smem:$0x3FB2]  }
0x39: {  	_ = 	snop;
	(pc) =	sbr.ind lr, $3  }
0x3a: {  	_ = 	snop  }
0x3b: {  	_ = 	snop  }
0x3c: {  	p2 =	seq.s32 s10, $0x1;
	s10 =	sld [smem:$0x3FB1]  }
0x3d: {  	_ =	shalt  }
0x3e: {  	_ =	shalt  }
0x3f: {  	_ =	shalt  }
0x40: {  	_ =	shalt  }
0x41: {  	_ =	shalt  }
0x42: {  	_ =	shalt  }
0x43: {  	_ =	shalt  }
0x44: {  	_ =	shalt  }
0x45: {  	_ =	shalt  }
0x46: {  	_ =	shalt  }
0x47: {  	_ =	shalt  }
0x48: {  	_ =	shalt  }
0x49: {  	_ =	shalt  }
0x4a: {  	_ =	shalt  }
0x4b: {  	_ =	shalt  }
0x4c: {  	_ =	shalt  }
0x4d: {  	_ =	shalt  }
0x4e: {  	_ =	shalt  }
0x4f: {  	_ =	shalt  }
0x50: {  	_ =	shalt  }
0x51: {  	_ =	shalt  }
0x52: {  	_ =	shalt  }
0x53: {  	_ =	shalt  }
0x54: {  	_ =	shalt  }
0x55: {  	_ =	shalt  }
0x56: {  	_ =	shalt  }
0x57: {  	_ =	shalt  }
0x58: {  	_ =	shalt  }
0x59: {  	_ =	shalt  }
0x5a: {  	_ =	shalt  }
0x5b: {  	_ =	shalt  }
0x5c: {  	_ =	shalt  }
0x5d: {  	_ =	shalt  }
0x5e: {  	_ =	shalt  }
0x5f: {  	_ =	shalt  }
0x60: {  	_ =	shalt  }
0x61: {  	_ =	shalt  }
0x62: {  	_ =	shalt  }
0x63: {  	_ =	shalt  }
0x64: {  	_ =	shalt  }
0x65: {  	_ =	shalt  }
0x66: {  	_ =	shalt  }
0x67: {  	_ =	shalt  }
0x68: {  	_ =	shalt  }
0x69: {  	_ =	shalt  }
0x6a: {  	_ =	shalt  }
0x6b: {  	_ =	shalt  }
0x6c: {  	_ =	shalt  }
0x6d: {  	_ =	shalt  }
0x6e: {  	_ =	shalt  }
0x6f: {  	_ =	shalt  }
0x70: {  	_ =	shalt  }
0x71: {  	_ =	shalt  }
0x72: {  	_ =	shalt  }
0x73: {  	_ =	shalt  }
0x74: {  	_ =	shalt  }
0x75: {  	_ =	shalt  }
0x76: {  	_ =	shalt  }
0x77: {  	_ =	shalt  }
0x78: {  	_ =	shalt  }
0x79: {  	_ =	shalt  }
0x7a: {  	_ =	shalt  }
0x7b: {  	_ =	shalt  }
0x7c: {  	_ =	shalt  }
0x7d: {  	_ =	shalt  }
0x7e: {  	_ =	shalt  }
0x7f: {  	_ =	shalt  }
0x80: {  	_ =	shalt  }
0x81: {  	_ =	shalt  }
0x82: {  	_ =	shalt  }
0x83: {  	_ =	shalt  }
0x84: {  	_ =	shalt  }
0x85: {  	_ =	shalt  }
0x86: {  	_ =	shalt  }
0x87: {  	_ =	shalt  }
.Lfunc_end0:
.L_simem_size_0:
called_computation.1_lowered:
.L_overlay_start_0:
0x88: {  	s2 =	sld [smem:$0x3FD9]  }
0x89: {  	s3 =	sld [smem:$0x3FFE];
	_ =	sdelay $0x1  }
0x8a: {  	s1 =	srdreg.scid  }
0x8b: {  	s0 =	sand.u32 $0x1, s1  }
0x8c: {  	s14 =	sshll.u32 s0, $0xA;
	s2 =	sadd.s32 s3, s2  }
0x8d: {  	s2 =	sadd.s32 s2, s14  }
0x8e: {  	[smem:$0x3FBD] =	sst s2  }
0x8f: {  	_ = 	snop  }
0x90: {  	s2 =	sld [smem:$0x3FD0];
	_ =	sdelay $0x2  }
0x91: {  	s15 =	simm.s32 $0xA;
	s4 =	simm.s32 $0x10  }
0x92: {  	[smem:s4], [sflag:s15] =	dma.local [hbm:s2], $0x1  }
0x93: {  	_ =	swait.eq [sflag:s15], $0x1  }
0x94: {  	[sflag:s15] =	ssyncset.done $0x0  }
0x95: {  	[sflag:s15] =	ssyncadd.s32 $0xFFFFFFFF  }
0x96: {  	s16 =	sld [smem:$0x10];
	(tm) =	ssettm $0x1  }
0x97: {  	s17 =	sld [smem:$0x3FFB];
	_ =	sdelay $0x3  }
0x98: {  	_ =	strace s17  }
0x99: {  	s3 =	sld [smem:$0x3FFC];
	_ =	sdelay $0x3  }
0x9a: {  	_ =	strace s3  }
0x9b: {  	s3 =	sld [smem:$0x3FFD];
	_ =	sdelay $0x3  }
0x9c: {  	_ =	strace s3  }
0x9d: {  	_ =	strace $0x8FFFFFFF  }
0x9e: {  	s18 =	sld [smem:$0x3FDB];
	_ =	sdelay $0x1  }
0x9f: {  	s19 =	simm.s32 $_scs_section_size  }
0xa0: {  	s5 =	simm.s32 $_size__tile_overlayer_lowered;
	s6 =	simm.s32 $_tile_overlayer_lowered  }
0xa1: {  	s22 =	simm.s32 $0x1BFF;
	s21 =	sshll.u32 s6, $0x1;
	s3 =	sadd.s32 s19, s18  }
0xa2: {  	s7 =	simm.s32 $0x0;
	s20 =	sshll.u32 s5, $0x1;
	s5 =	sadd.s32 s21, s3  }
0xa3: {  	[timem:s7], [sflag:s22] =	dma.local [hbm:s5], s20  }
0xa4: {  	_ =	swait.ge [sflag:s22], s20  }
0xa5: {  	s4 =	ssub.s32 $0x0, s20;
	[sflag:s22] =	ssyncset.done $0x0  }
0xa6: {  	[sflag:s22] =	ssyncadd.s32 s4;
	_ =	sdelay $0x1  }
0xa7: {  	s23 =	simm.s32 $0x1B8B  }
0xa8: {  	_ =	swait.ge [sflag:s23], $0x1  }
0xa9: {  	[sflag:s23] =	ssyncset.done $0x0  }
0xaa: {  	s25 =	simm.s32 $0x1B8E;
	s24 =	sld [smem:$0x3FFE];
	[sflag:s23] =	ssyncadd.s32 $0xFFFFFFFF  }
0xab: {  	s26 =	simm.s32 $execute0_lowered;
	[smem:$0x3FD2] =	sst s25  }
0xac: {  	s5 =	sshll.u32 s26, $0x1;
	_ =	strace $0x80000049;
	[dreg:$0x1] =	wrdreg $0xFFFFFFFF  }
0xad: {  	s28 =	simm.s32 $_size_execute0_lowered;
	s3 =	sadd.s32 s3, s5;
	[dreg:$0x0] =	wrdreg $0x0  }
0xae: {  	s5 =	sshll.u32 s28, $0x1;
	[dreg:$0x2] =	wrdreg s3  }
0xaf: {  	[dreg:$0x3] =	wrdreg s5  }
0xb0: {  	[dreg:$0x4] =	wrdreg $0xC0  }
0xb1: {  	_ =	task [dreg:s7], $0x5FFFF  }
0xb2: {  	[dreg:$0x1] =	wrdreg $0xFFFFFFFF  }
0xb3: {  	[dreg:$0x0] =	wrdreg $0x60  }
0xb4: {  	[dreg:$0x2] =	wrdreg s24  }
0xb5: {  	[dreg:$0x3] =	wrdreg s16  }
0xb6: {  	[dreg:$0x4] =	wrdreg $0x51800  }
0xb7: {  	[dreg:$0x5] =	wrdreg $0x191800  }
0xb8: {  	[dreg:$0x6] =	wrdreg $0x9  }
0xb9: {  	_ =	task.clear_ibuf [dreg:s7], $0x7FFFF;
	_ =	strace $0x90000049  }
0xba: {  	s29 =	simm.s32 $0x9;
	_ =	strace $0x8000004B  }
0xbb: {  	_ =	swait.ge [sflag:s29], $0x1  }
0xbc: {  	[sflag:s29] =	ssyncadd.s32 $0xFFFFFFFF  }
0xbd: {  	_ =	strace $0x9000004B  }
0xbe: {  	_ =	sfence  }
0xbf: {  	s30 =	sld [smem:$0x0];
	_ =	sdelay $0x2  }
0xc0: {  	s31 =	sshll.u32 s1, $0xD;
	s1 =	sshrl.u32 s1, $0x2  }
0xc1: {  	s3 =	sand.u32 $0x4000, s31;
	s1 =	sadd.s32 s1, s30  }
0xc2: {  	s0 =	sor.u32 s3, s0;
	s1 =	sshll.u32 s1, $0x11  }
0xc3: {  	s0 =	sor.u32 s1, s0  }
0xc4: {  	s0 =	sadd.s32 $0x8F2B, s0  }
0xc5: {  	[sflag:s0] =	ssyncadd.remote.s32 $0x1  }
0xc6: {  	_ =	sfence.sel $0xFFFF  }
0xc7: {  	[dreg:$0x0] =	wrdreg $0xFFFFFFFF;
	(pc) =	sbr.abs _section_cstart, $3  }
0xc8: {  	[dreg:$0x1] =	wrdreg $0xFFFFFFFF  }
0xc9: {  	_ =	task.clear_ibuf [dreg:s7], $0x2FFFF;
	_ =	strace $0x9FFFFFFF  }
0xca: {  	(tm) =	ssettm $0x7FFFFFFF  }
0xcb: {  	_ =	shalt  }
tec
execute0_lowered:
.L_overlay_start_1:
0x0: {  	(tag) =	ssettag $0x1  }
0x1: {  	s25 =	stileid.u32  }
0x2: {  	s0 =	srdreg.scid;
	s2 =	smul.u32 $0x2710, s25  }
0x3: {  	s8 =	sand.u32 $0x1, s0;
	s19 =	smul.u32 $0x14000, s25  }
0x4: {  	s0 =	smul.u32 $0x271000, s8  }
0x5: {  	s1 =	smul.u32 $0x27100, s8  }
0x6: {  	s3 =	rddreg [dreg:$0x0];
	s4 =	ssub.s32 $0x2, s8;
	s18 =	smul.u32 $0x140000, s8  }
0x7: {  	s17 =	sadd.s32 $0x16600, s3;
	s20 =	smul.u32 $0x2800, s8;
	s28 =	sshrl.u32 s4, $0x1  }
0x8: {  	s0 =	sadd.s32 s0, s3;
	s1 =	sadd.s32 s2, s1;
	s5 =	ssub.s32 s4, s28  }
0x9: {  	s29 =	sadd.s32 s19, s18;
	s2 =	sshrl.u32 s1, $0x3;
	s1 =	smul.u32 $0x280, s25  }
0xa: {  	s8 =	sshrl.u32 s29, $0x3;
	s5 =	smax.u32 s5, $0x1;
	s10 =	sadd.s32 s2, s3  }
0xb: {  	s8 =	sadd.s32 s17, s8;
	s3 =	sor.u32 $0x50, s1;
	s2 =	sadd.s32 $0xA0, s1  }
0xc: {  	s4 =	sadd.s32 $0xF0, s1;
	s6 =	sadd.s32 $0x140, s1;
	s7 =	sadd.s32 $0x190, s1  }
0xd: {  	s12 =	sadd.s32 $0x1E0, s1;
	s21 =	sadd.s32 s1, s20;
	[dreg:$0x5] =	wrdreg s8  }
0xe: {  	s13 =	sshll.u32 s3, $0x7;
	s9 =	sshll.u32 s2, $0x7;
	s11 =	sshll.u32 s4, $0x7  }
0xf: {  	s14 =	sshll.u32 s6, $0x7;
	s15 =	sshll.u32 s7, $0x7;
	s16 =	sshll.u32 s12, $0x7  }
0x10: {  	s21 =	sshrl.u32 s21, $0x3;
	s30 =	sadd.s32 s18, s13;
	s23 =	sadd.s32 s18, s9  }
0x11: {  	s24 =	sadd.s32 s18, s11;
	s29 =	sadd.s32 s18, s15;
	s19 =	sshrl.u32 s30, $0x3  }
0x12: {  	s8 =	sshrl.u32 s23, $0x3;
	s30 =	sadd.s32 s18, s16;
	s22 =	sadd.s32 s17, s19  }
0x13: {  	s19 =	sshrl.u32 s24, $0x3;
	s8 =	sadd.s32 s17, s8;
	[dreg:$0x6] =	wrdreg s22  }
0x14: {  	s22 =	sadd.s32 s18, s14;
	[dreg:$0x7] =	wrdreg s8;
	s26 =	sadd.s32 s17, s19  }
0x15: {  	s8 =	sshrl.u32 s29, $0x3;
	s19 =	sshrl.u32 s30, $0x3;
	s29 =	sadd.s32 s20, s2  }
0x16: {  	s30 =	sadd.s32 s20, s4;
	[dreg:$0x8] =	wrdreg s26;
	s8 =	sadd.s32 s17, s8  }
0x17: {  	s22 =	sshrl.u32 s22, $0x3;
	s19 =	sadd.s32 s17, s19;
	[dreg:$0xa] =	wrdreg s8  }
0x18: {  	s28 =	sadd.s32 s17, s22;
	s22 =	sadd.s32 $0x230, s1;
	[dreg:$0xb] =	wrdreg s19  }
0x19: {  	s8 =	simm.s32 $0x0;
	[dreg:$0x9] =	wrdreg s28;
	s23 =	sshll.u32 s22, $0x7  }
0x1a: {  	s19 =	sshrl.u32 s30, $0x3;
	[smem:$0x7FF] =	sst s8;
	s24 =	sadd.s32 s18, s23  }
0x1b: {  	s30 =	sadd.s32 s20, s12;
	s18 =	sshrl.u32 s24, $0x3;
	s24 =	rddreg [dreg:$0x1]  }
0x1c: {  	s28 =	sadd.s32 s20, s3;
	s17 =	sadd.s32 s17, s18;
	s26 =	sadd.s32 s24, s21  }
0x1d: {  	s18 =	sshrl.u32 s29, $0x3;
	s29 =	sadd.s32 s20, s7;
	[dreg:$0xc] =	wrdreg s17  }
0x1e: {  	[dreg:$0xd] =	wrdreg s26;
	s17 =	sshrl.u32 s28, $0x3;
	s21 =	sadd.s32 s24, s18  }
0x1f: {  	s26 =	sadd.s32 s24, s19;
	s28 =	sadd.s32 s20, s6;
	[dreg:$0xf] =	wrdreg s21  }
0x20: {  	s18 =	sshrl.u32 s29, $0x3;
	s19 =	sshrl.u32 s30, $0x3;
	[dreg:$0x10] =	wrdreg s26  }
0x21: {  	s17 =	sadd.s32 s24, s17;
	s21 =	sadd.s32 s24, s19;
	s19 =	rddreg [dreg:$0x3]  }
0x22: {  	s29 =	smul.u32 $0x27100, s25;
	s18 =	sadd.s32 s24, s18;
	[dreg:$0xe] =	wrdreg s17  }
0x23: {  	s26 =	sadd.s32 s20, s22;
	s17 =	sshrl.u32 s28, $0x3;
	[dreg:$0x12] =	wrdreg s18  }
0x24: {  	[dreg:$0x13] =	wrdreg s21;
	s28 =	smul.u32 $0x50000, s25;
	s18 =	sshrl.u32 s26, $0x3  }
0x25: {  	s20 =	sadd.s32 s29, s0;
	s25 =	sadd.s32 s1, s19;
	s21 =	sadd.s32 s2, s19  }
0x26: {  	s29 =	sadd.s32 s4, s19;
	s31 =	sadd.s32 s6, s19;
	s0 =	sadd.s32 s7, s19  }
0x27: {  	s2 =	sadd.s32 s12, s19;
	s4 =	sadd.s32 s22, s19;
	s17 =	sadd.s32 s24, s17  }
0x28: {  	s12 =	simm.s32 $0x1;
	s18 =	sadd.s32 s24, s18;
	[dreg:$0x11] =	wrdreg s17  }
0x29: {  	s6 =	sadd.s32 $0x4F8600, s20;
	s7 =	sadd.s32 $0x9DA600, s20;
	s17 =	rddreg [dreg:$0x2]  }
0x2a: {  	s20 =	simm.s32 $0x0;
	[dreg:$0x14] =	wrdreg s18;
	s30 =	sshrl.u32 s28, $0x2  }
0x2b: {  	_ =	strace $0x8000004A;
	s24 =	sadd.s32 s30, s17;
	[dreg:$0x17] =	wrdreg s21  }
0x2c: {  	s26 =	sadd.s32 s13, s17;
	s13 =	sadd.s32 s3, s19;
	[dreg:$0x19] =	wrdreg s29  }
0x2d: {  	s18 =	sadd.s32 s9, s17;
	s28 =	sadd.s32 s11, s17;
	[dreg:$0x1b] =	wrdreg s5  }
0x2e: {  	s30 =	sadd.s32 s14, s17;
	s1 =	sadd.s32 s16, s17;
	[dreg:$0x15] =	wrdreg s13  }
0x2f: {  	s3 =	sadd.s32 s23, s17;
	s9 =	sadd.s32 $0x2A00, s10;
	[dreg:$0x16] =	wrdreg s18  }
0x30: {  	s10 =	sadd.s32 $0xC800, s10;
	s11 =	simm.s32 $0x100;
	[dreg:$0x18] =	wrdreg s28  }
0x31: {  	s14 =	simm.s32 $0x80;
	s16 =	simm.s32 $0x50;
	[dreg:$0x1a] =	wrdreg s30  }
0x32: {  	v0 =	vimm.f32 $0.0e+00;
	v1 =	vimm.f32 $1.000000000e+00;
	s18 =	sadd.s32 s15, s17;
	s13 =	simm.s32 $0x5100;
	s15 =	simm.s32 $0x2900  }
.LBB2_1:
0x33: {  	s5 =	simm.s32 $0x0;
	s21 =	simm.s32 $0x200  }
.LBB2_2:
0x34: {  	p0 =	sne.s32 s21, $0x9E00;
	[tilespmem:s5+$0x170] =	vst v0  }
0x35: {  	[tilespmem:s5+$0x100] =	vst v0  }
0x36: {  	[tilespmem:s5+$0x110] =	vst v0  }
.Ltmp0:
0x37: {  	[tilespmem:s5+$0x120] =	vst v0;
	(pc) =	sbr.rel @p0 .LBB2_2-.Ltmp0, $4  }
0x38: {  	[tilespmem:s5+$0x130] =	vst v0  }
0x39: {  	[tilespmem:s5+$0x140] =	vst v0  }
0x3a: {  	[tilespmem:s5+$0x150] =	vst v0  }
0x3b: {  	[tilespmem:s5+$0x160] =	vst v0;
	s5 =	sshra.s32 s21, $0x2;
	s21 =	sadd.s32 $0x200, s21  }
0x3c: {  	[tilespmem:s5+$0x170] =	vst v0  }
0x3d: {  	[tilespmem:s5+$0x100] =	vst v0  }
0x3e: {  	[tilespmem:s5+$0x110] =	vst v0  }
0x3f: {  	[tilespmem:s5+$0x120] =	vst v0  }
0x40: {  	[tilespmem:s5+$0x130] =	vst v0  }
0x41: {  	[tilespmem:s5+$0x140] =	vst v0  }
0x42: {  	[tilespmem:s5+$0x150] =	vst v0  }
0x43: {  	[tilespmem:s5+$0x160] =	vst v0  }
0x44: {  	[tilespmem:$0x5100] =	vst v0  }
0x45: {  	[tilespmem:$0x5110] =	vst v0  }
0x46: {  	[tilespmem:$0x5120] =	vst v0  }
0x47: {  	[tilespmem:$0x5130] =	vst v0  }
0x48: {  	[tilespmem:$0x5140] =	vst v0  }
0x49: {  	[spmem:s24] =	stream.linear.scatter [tilespmem:s11], [sflag:$0x1], $0x2800, $0x38;
	[tilespmem:$0x19400] =	vst v63  }
0x4a: {  	_ =	swait.ge [sflag:s12], $0x2800  }
0x4b: {  	[sflag:s12] =	ssyncset.done $0x0  }
0x4c: {  	[sflag:s12] =	ssyncadd.s32 $0xFFFFD800  }
0x4d: {  	[spmem:s25] =	stream.linear.scatter [tilespmem:s13], [sflag:$0x1], $0x50, $0x38;
	[tilespmem:$0x19400] =	vst v63  }
0x4e: {  	_ =	swait.ge [sflag:s12], $0x50  }
0x4f: {  	[sflag:s12] =	ssyncset.done $0x0  }
0x50: {  	[sflag:s12] =	ssyncadd.s32 $0xFFFFFFB0  }
0x51: {  	[spmem:s26] =	stream.linear.scatter [tilespmem:s11], [sflag:$0x1], $0x2800, $0x38;
	[tilespmem:$0x19400] =	vst v63  }
0x52: {  	_ =	swait.ge [sflag:s12], $0x2800  }
0x53: {  	[sflag:s12] =	ssyncset.done $0x0  }
0x54: {  	s29 =	smov.u32 s25;
	s25 =	rddreg [dreg:$0x15];
	[sflag:s12] =	ssyncadd.s32 $0xFFFFD800  }
0x55: {  	[spmem:s25] =	stream.linear.scatter [tilespmem:s13], [sflag:$0x1], $0x50, $0x38;
	[tilespmem:$0x19400] =	vst v63  }
0x56: {  	_ =	swait.ge [sflag:s12], $0x50  }
0x57: {  	[sflag:s12] =	ssyncset.done $0x0  }
0x58: {  	s30 =	smov.u32 s26;
	s26 =	rddreg [dreg:$0x16];
	[sflag:s12] =	ssyncadd.s32 $0xFFFFFFB0  }
0x59: {  	[spmem:s26] =	stream.linear.scatter [tilespmem:s11], [sflag:$0x1], $0x2800, $0x38;
	[tilespmem:$0x19400] =	vst v63  }
0x5a: {  	_ =	swait.ge [sflag:s12], $0x2800  }
0x5b: {  	[sflag:s12] =	ssyncset.done $0x0  }
0x5c: {  	s21 =	rddreg [dreg:$0x17];
	[sflag:s12] =	ssyncadd.s32 $0xFFFFD800  }
0x5d: {  	[spmem:s21] =	stream.linear.scatter [tilespmem:s13], [sflag:$0x1], $0x50, $0x38;
	[tilespmem:$0x19400] =	vst v63  }
0x5e: {  	_ =	swait.ge [sflag:s12], $0x50  }
0x5f: {  	[sflag:s12] =	ssyncset.done $0x0  }
0x60: {  	s22 =	rddreg [dreg:$0x18];
	[sflag:s12] =	ssyncadd.s32 $0xFFFFFFB0  }
0x61: {  	[spmem:s22] =	stream.linear.scatter [tilespmem:s11], [sflag:$0x1], $0x2800, $0x38;
	[tilespmem:$0x19400] =	vst v63  }
0x62: {  	_ =	swait.ge [sflag:s12], $0x2800  }
0x63: {  	[sflag:s12] =	ssyncset.done $0x0  }
0x64: {  	s23 =	rddreg [dreg:$0x19];
	[sflag:s12] =	ssyncadd.s32 $0xFFFFD800  }
0x65: {  	[spmem:s23] =	stream.linear.scatter [tilespmem:s13], [sflag:$0x1], $0x50, $0x38;
	[tilespmem:$0x19400] =	vst v63  }
0x66: {  	_ =	swait.ge [sflag:s12], $0x50  }
0x67: {  	[sflag:s12] =	ssyncset.done $0x0  }
0x68: {  	s28 =	smov.u32 s24;
	s24 =	rddreg [dreg:$0x1a];
	[sflag:s12] =	ssyncadd.s32 $0xFFFFFFB0  }
0x69: {  	[spmem:s24] =	stream.linear.scatter [tilespmem:s11], [sflag:$0x1], $0x2800, $0x38;
	[tilespmem:$0x19400] =	vst v63  }
0x6a: {  	_ =	swait.ge [sflag:s12], $0x2800  }
0x6b: {  	[sflag:s12] =	ssyncset.done $0x0  }
0x6c: {  	[sflag:s12] =	ssyncadd.s32 $0xFFFFD800  }
0x6d: {  	[spmem:s31] =	stream.linear.scatter [tilespmem:s13], [sflag:$0x1], $0x50, $0x38;
	[tilespmem:$0x19400] =	vst v63  }
0x6e: {  	_ =	swait.ge [sflag:s12], $0x50  }
0x6f: {  	[sflag:s12] =	ssyncset.done $0x0  }
0x70: {  	[sflag:s12] =	ssyncadd.s32 $0xFFFFFFB0  }
0x71: {  	[spmem:s18] =	stream.linear.scatter [tilespmem:s11], [sflag:$0x1], $0x2800, $0x38;
	[tilespmem:$0x19400] =	vst v63  }
0x72: {  	_ =	swait.ge [sflag:s12], $0x2800  }
0x73: {  	[sflag:s12] =	ssyncset.done $0x0  }
0x74: {  	[sflag:s12] =	ssyncadd.s32 $0xFFFFD800  }
0x75: {  	[spmem:s0] =	stream.linear.scatter [tilespmem:s13], [sflag:$0x1], $0x50, $0x38;
	[tilespmem:$0x19400] =	vst v63  }
0x76: {  	_ =	swait.ge [sflag:s12], $0x50  }
0x77: {  	[sflag:s12] =	ssyncset.done $0x0  }
0x78: {  	[sflag:s12] =	ssyncadd.s32 $0xFFFFFFB0  }
0x79: {  	[spmem:s1] =	stream.linear.scatter [tilespmem:s11], [sflag:$0x1], $0x2800, $0x38;
	[tilespmem:$0x19400] =	vst v63  }
0x7a: {  	_ =	swait.ge [sflag:s12], $0x2800  }
0x7b: {  	[sflag:s12] =	ssyncset.done $0x0  }
0x7c: {  	[sflag:s12] =	ssyncadd.s32 $0xFFFFD800  }
0x7d: {  	[spmem:s2] =	stream.linear.scatter [tilespmem:s13], [sflag:$0x1], $0x50, $0x38;
	[tilespmem:$0x19400] =	vst v63  }
0x7e: {  	_ =	swait.ge [sflag:s12], $0x50  }
0x7f: {  	[sflag:s12] =	ssyncset.done $0x0  }
0x80: {  	[sflag:s12] =	ssyncadd.s32 $0xFFFFFFB0  }
0x81: {  	[spmem:s3] =	stream.linear.scatter [tilespmem:s11], [sflag:$0x1], $0x2800, $0x38;
	[tilespmem:$0x19400] =	vst v63  }
0x82: {  	_ =	swait.ge [sflag:s12], $0x2800  }
0x83: {  	[sflag:s12] =	ssyncset.done $0x0  }
0x84: {  	[sflag:s12] =	ssyncadd.s32 $0xFFFFD800  }
0x85: {  	[spmem:s4] =	stream.linear.scatter [tilespmem:s13], [sflag:$0x1], $0x50, $0x38;
	[tilespmem:$0x19400] =	vst v63  }
0x86: {  	_ =	swait.ge [sflag:s12], $0x50  }
0x87: {  	[sflag:s12] =	ssyncset.done $0x0  }
0x88: {  	[sflag:s12] =	ssyncadd.s32 $0xFFFFFFB0  }
0x89: {  	[tilespmem:$0x5100] =	vst v1  }
0x8a: {  	[tilespmem:$0x5110] =	vst v1  }
0x8b: {  	[tilespmem:$0x5120] =	vst v1  }
0x8c: {  	[tilespmem:$0x5130] =	vst v1  }
0x8d: {  	[tilespmem:$0x5140] =	vst v1  }
0x8e: {  	s25 =	sadd.s32 $0x0, s10;
	[bflag:$0x0] =	sbarrier.arrive $0xFFFF  }
0x8f: {  	[tilespmem:s8], [sflag:$0x1] =	stream.linear.gather [hbm4b:s25+s8], $0x50, $0x38;
	[tilespmem:$0x19400] =	vst v63  }
0x90: {  	_ =	swait.ge [sflag:s12], $0x50  }
0x91: {  	[sflag:s12] =	ssyncset.done $0x0  }
0x92: {  	s26 =	sadd.s32 $0x0, s9;
	[sflag:s12] =	ssyncadd.s32 $0xFFFFFFB0  }
0x93: {  	[tilespmem:s14], [sflag:$0x1] =	stream.linear.gather [hbm4b:s26+s8], $0x50, $0x38;
	[tilespmem:$0x19400] =	vst v63  }
0x94: {  	_ =	swait.ge [sflag:s12], $0x50  }
0x95: {  	[sflag:s12] =	ssyncset.done $0x0  }
0x96: {  	[sflag:s12] =	ssyncadd.s32 $0xFFFFFFB0  }
0x97: {  	[tilespmem:s11], [sflag:$0x1] =	stream.linear.gather [hbm4b:s6+s8], $0x2800, $0x38;
	[tilespmem:$0x19400] =	vst v63  }
0x98: {  	_ =	swait.ge [sflag:s12], $0x2800  }
0x99: {  	[sflag:s12] =	ssyncset.done $0x0  }
0x9a: {  	[sflag:s12] =	ssyncadd.s32 $0xFFFFD800  }
0x9b: {  	[tilespmem:s15], [sflag:$0x1] =	stream.linear.gather [hbm4b:s7+s8], $0x2800, $0x38;
	[tilespmem:$0x19400] =	vst v63  }
0x9c: {  	_ =	swait.ge [sflag:s12], $0x2800  }
0x9d: {  	[sflag:s12] =	ssyncset.done $0x0  }
0x9e: {  	[sflag:s12] =	ssyncadd.s32 $0xFFFFD800  }
0x9f: {  	[spmem:s17] =	stream.indirect.scatter.add.f32 [tilespmem:s11], [sflag:$0x1], $0x80, s8, s16, $0xb8;
	[tilespmem:$0x19400] =	vst v63  }
0xa0: {  	_ =	swait.ge [sflag:s12], $0x2800  }
0xa1: {  	[sflag:s12] =	ssyncset.done $0x0  }
0xa2: {  	[sflag:s12] =	ssyncadd.s32 $0xFFFFD800  }
0xa3: {  	[spmem:s17] =	stream.indirect.scatter.add.f32 [tilespmem:s15], [sflag:$0x1], $0x80, s14, s16, $0xb8;
	[tilespmem:$0x19400] =	vst v63  }
0xa4: {  	_ =	swait.ge [sflag:s12], $0x2800  }
0xa5: {  	[sflag:s12] =	ssyncset.done $0x0  }
0xa6: {  	[sflag:s12] =	ssyncadd.s32 $0xFFFFD800  }
0xa7: {  	[spmem:s19] =	stream.indirect.scatter.add.f32 [tilespmem:s13], [sflag:$0x1], $0x1, s8, s16, $0xb8;
	[tilespmem:$0x19400] =	vst v63  }
0xa8: {  	_ =	swait.ge [sflag:s12], $0x50  }
0xa9: {  	[sflag:s12] =	ssyncset.done $0x0  }
0xaa: {  	[sflag:s12] =	ssyncadd.s32 $0xFFFFFFB0  }
0xab: {  	[spmem:s19] =	stream.indirect.scatter.add.f32 [tilespmem:s13], [sflag:$0x1], $0x1, s14, s16, $0xb8;
	[tilespmem:$0x19400] =	vst v63  }
0xac: {  	s5 =	sadd.s32 $0x500, s7;
	s21 =	sadd.s32 $0x500, s6;
	_ =	swait.ge [sflag:s12], $0x50  }
0xad: {  	s22 =	simm.s32 $0xA;
	s23 =	simm.s32 $0x14;
	[sflag:s12] =	ssyncset.done $0x0  }
.LBB2_4:
0xae: {  	s25 =	sadd.s32 s22, s10  }
0xaf: {  	[sflag:s12] =	ssyncadd.s32 $0xFFFFFFB0;
	s26 =	smov.u32 s23;
	s24 =	sadd.s32 $0xA, s23  }
0xb0: {  	[tilespmem:s8], [sflag:$0x1] =	stream.linear.gather [hbm4b:s25+s8], $0x50, $0x38;
	[tilespmem:$0x19400] =	vst v63  }
0xb1: {  	p0 =	sne.s32 s23, $0x4D8;
	_ =	swait.ge [sflag:s12], $0x50  }
0xb2: {  	[sflag:s12] =	ssyncset.done $0x0  }
0xb3: {  	s23 =	sadd.s32 s22, s9;
	s22 =	smov.u32 s26;
	[sflag:s12] =	ssyncadd.s32 $0xFFFFFFB0  }
0xb4: {  	[tilespmem:s14], [sflag:$0x1] =	stream.linear.gather [hbm4b:s23+s8], $0x50, $0x38;
	[tilespmem:$0x19400] =	vst v63  }
0xb5: {  	_ =	swait.ge [sflag:s12], $0x50  }
0xb6: {  	[sflag:s12] =	ssyncset.done $0x0  }
0xb7: {  	[sflag:s12] =	ssyncadd.s32 $0xFFFFFFB0  }
0xb8: {  	[tilespmem:s11], [sflag:$0x1] =	stream.linear.gather [hbm4b:s21+s8], $0x2800, $0x38;
	[tilespmem:$0x19400] =	vst v63  }
0xb9: {  	_ =	swait.ge [sflag:s12], $0x2800  }
0xba: {  	[sflag:s12] =	ssyncset.done $0x0  }
0xbb: {  	[sflag:s12] =	ssyncadd.s32 $0xFFFFD800  }
0xbc: {  	[tilespmem:s15], [sflag:$0x1] =	stream.linear.gather [hbm4b:s5+s8], $0x2800, $0x38;
	[tilespmem:$0x19400] =	vst v63  }
0xbd: {  	_ =	swait.ge [sflag:s12], $0x2800  }
0xbe: {  	[sflag:s12] =	ssyncset.done $0x0  }
0xbf: {  	[sflag:s12] =	ssyncadd.s32 $0xFFFFD800  }
0xc0: {  	[spmem:s17] =	stream.indirect.scatter.add.f32 [tilespmem:s11], [sflag:$0x1], $0x80, s8, s16, $0xb8;
	[tilespmem:$0x19400] =	vst v63  }
0xc1: {  	_ =	swait.ge [sflag:s12], $0x2800  }
0xc2: {  	[sflag:s12] =	ssyncset.done $0x0  }
0xc3: {  	[sflag:s12] =	ssyncadd.s32 $0xFFFFD800  }
0xc4: {  	[spmem:s17] =	stream.indirect.scatter.add.f32 [tilespmem:s15], [sflag:$0x1], $0x80, s14, s16, $0xb8;
	[tilespmem:$0x19400] =	vst v63  }
0xc5: {  	_ =	swait.ge [sflag:s12], $0x2800  }
0xc6: {  	[sflag:s12] =	ssyncset.done $0x0  }
0xc7: {  	[sflag:s12] =	ssyncadd.s32 $0xFFFFD800  }
0xc8: {  	[spmem:s19] =	stream.indirect.scatter.add.f32 [tilespmem:s13], [sflag:$0x1], $0x1, s8, s16, $0xb8;
	[tilespmem:$0x19400] =	vst v63  }
0xc9: {  	_ =	swait.ge [sflag:s12], $0x50  }
.Ltmp1:
0xca: {  	[sflag:s12] =	ssyncset.done $0x0;
	(pc) =	sbr.rel @p0 .LBB2_4-.Ltmp1, $4  }
0xcb: {  	[sflag:s12] =	ssyncadd.s32 $0xFFFFFFB0  }
0xcc: {  	[spmem:s19] =	stream.indirect.scatter.add.f32 [tilespmem:s13], [sflag:$0x1], $0x1, s14, s16, $0xb8;
	[tilespmem:$0x19400] =	vst v63  }
0xcd: {  	s23 =	smov.u32 s24;
	_ =	swait.ge [sflag:s12], $0x50  }
0xce: {  	s21 =	sadd.s32 $0x500, s21;
	s5 =	sadd.s32 $0x500, s5;
	[sflag:s12] =	ssyncset.done $0x0  }
0xcf: {  	s23 =	sadd.s32 s22, s10;
	[sflag:s12] =	ssyncadd.s32 $0xFFFFFFB0  }
0xd0: {  	[tilespmem:s8], [sflag:$0x1] =	stream.linear.gather [hbm4b:s23+s8], $0x50, $0x38;
	[tilespmem:$0x19400] =	vst v63  }
0xd1: {  	_ =	swait.ge [sflag:s12], $0x50  }
0xd2: {  	[sflag:s12] =	ssyncset.done $0x0  }
0xd3: {  	s24 =	sadd.s32 s22, s9;
	[sflag:s12] =	ssyncadd.s32 $0xFFFFFFB0  }
0xd4: {  	[tilespmem:s14], [sflag:$0x1] =	stream.linear.gather [hbm4b:s24+s8], $0x50, $0x38;
	[tilespmem:$0x19400] =	vst v63  }
0xd5: {  	_ =	swait.ge [sflag:s12], $0x50  }
0xd6: {  	[sflag:s12] =	ssyncset.done $0x0  }
0xd7: {  	[sflag:s12] =	ssyncadd.s32 $0xFFFFFFB0  }
0xd8: {  	[tilespmem:s11], [sflag:$0x1] =	stream.linear.gather [hbm4b:s21+s8], $0x2800, $0x38;
	[tilespmem:$0x19400] =	vst v63  }
0xd9: {  	_ =	swait.ge [sflag:s12], $0x2800  }
0xda: {  	[sflag:s12] =	ssyncset.done $0x0  }
0xdb: {  	[sflag:s12] =	ssyncadd.s32 $0xFFFFD800  }
0xdc: {  	[tilespmem:s15], [sflag:$0x1] =	stream.linear.gather [hbm4b:s5+s8], $0x2800, $0x38;
	[tilespmem:$0x19400] =	vst v63  }
0xdd: {  	_ =	swait.ge [sflag:s12], $0x2800  }
0xde: {  	[sflag:s12] =	ssyncset.done $0x0  }
0xdf: {  	[sflag:s12] =	ssyncadd.s32 $0xFFFFD800  }
0xe0: {  	[spmem:s17] =	stream.indirect.scatter.add.f32 [tilespmem:s11], [sflag:$0x1], $0x80, s8, s16, $0xb8;
	[tilespmem:$0x19400] =	vst v63  }
0xe1: {  	_ =	swait.ge [sflag:s12], $0x2800  }
0xe2: {  	[sflag:s12] =	ssyncset.done $0x0  }
0xe3: {  	[sflag:s12] =	ssyncadd.s32 $0xFFFFD800  }
0xe4: {  	[spmem:s17] =	stream.indirect.scatter.add.f32 [tilespmem:s15], [sflag:$0x1], $0x80, s14, s16, $0xb8;
	[tilespmem:$0x19400] =	vst v63  }
0xe5: {  	_ =	swait.ge [sflag:s12], $0x2800  }
0xe6: {  	[sflag:s12] =	ssyncset.done $0x0  }
0xe7: {  	[sflag:s12] =	ssyncadd.s32 $0xFFFFD800  }
0xe8: {  	[spmem:s19] =	stream.indirect.scatter.add.f32 [tilespmem:s13], [sflag:$0x1], $0x1, s8, s16, $0xb8;
	[tilespmem:$0x19400] =	vst v63  }
0xe9: {  	_ =	swait.ge [sflag:s12], $0x50  }
0xea: {  	[sflag:s12] =	ssyncset.done $0x0  }
0xeb: {  	[sflag:s12] =	ssyncadd.s32 $0xFFFFFFB0  }
0xec: {  	[spmem:s19] =	stream.indirect.scatter.add.f32 [tilespmem:s13], [sflag:$0x1], $0x1, s14, s16, $0xb8;
	[tilespmem:$0x19400] =	vst v63  }
0xed: {  	_ =	swait.ge [sflag:s12], $0x50  }
0xee: {  	[sflag:s12] =	ssyncset.done $0x0  }
0xef: {  	[sflag:s12] =	ssyncadd.s32 $0xFFFFFFB0  }
0xf0: {  	[bflag:$0x0] =	sbarrier.arrive $0xFFFF  }
0xf1: {  	[tilespmem:s11], [sflag:$0x1] =	stream.linear.gather [spmem:s28], $0x2800, $0x38;
	[tilespmem:$0x19400] =	vst v63  }
0xf2: {  	_ =	swait.ge [sflag:s12], $0x2800  }
0xf3: {  	[sflag:s12] =	ssyncset.done $0x0  }
0xf4: {  	s25 =	rddreg [dreg:$0x5];
	[sflag:s12] =	ssyncadd.s32 $0xFFFFD800  }
0xf5: {  	[hbm4b:s25+s8] =	stream.linear.scatter [tilespmem:s11], [sflag:$0x1], $0x2800, $0x38;
	[tilespmem:$0x19400] =	vst v63  }
0xf6: {  	_ =	swait.ge [sflag:s12], $0x2800  }
0xf7: {  	[sflag:s12] =	ssyncset.done $0x0  }
0xf8: {  	[sflag:s12] =	ssyncadd.s32 $0xFFFFD800  }
0xf9: {  	[tilespmem:s13], [sflag:$0x1] =	stream.linear.gather [spmem:s29], $0x50, $0x38;
	[tilespmem:$0x19400] =	vst v63  }
0xfa: {  	_ =	swait.ge [sflag:s12], $0x50  }
0xfb: {  	[sflag:s12] =	ssyncset.done $0x0  }
0xfc: {  	s26 =	rddreg [dreg:$0xd];
	[sflag:s12] =	ssyncadd.s32 $0xFFFFFFB0  }
0xfd: {  	[hbm4b:s26+s8] =	stream.linear.scatter [tilespmem:s13], [sflag:$0x1], $0x50, $0x38;
	[tilespmem:$0x19400] =	vst v63  }
0xfe: {  	_ =	swait.ge [sflag:s12], $0x50  }
0xff: {  	[sflag:s12] =	ssyncset.done $0x0  }
0x100: {  	[sflag:s12] =	ssyncadd.s32 $0xFFFFFFB0  }
0x101: {  	[tilespmem:s11], [sflag:$0x1] =	stream.linear.gather [spmem:s30], $0x2800, $0x38;
	[tilespmem:$0x19400] =	vst v63  }
0x102: {  	_ =	swait.ge [sflag:s12], $0x2800  }
0x103: {  	[sflag:s12] =	ssyncset.done $0x0  }
0x104: {  	s24 =	smov.u32 s28;
	s28 =	rddreg [dreg:$0x6];
	[sflag:s12] =	ssyncadd.s32 $0xFFFFD800  }
0x105: {  	[hbm4b:s28+s8] =	stream.linear.scatter [tilespmem:s11], [sflag:$0x1], $0x2800, $0x38;
	[tilespmem:$0x19400] =	vst v63  }
0x106: {  	_ =	swait.ge [sflag:s12], $0x2800  }
0x107: {  	[sflag:s12] =	ssyncset.done $0x0  }
0x108: {  	s25 =	smov.u32 s29;
	s29 =	rddreg [dreg:$0x15];
	[sflag:s12] =	ssyncadd.s32 $0xFFFFD800  }
0x109: {  	[tilespmem:s13], [sflag:$0x1] =	stream.linear.gather [spmem:s29], $0x50, $0x38;
	[tilespmem:$0x19400] =	vst v63  }
0x10a: {  	_ =	swait.ge [sflag:s12], $0x50  }
0x10b: {  	[sflag:s12] =	ssyncset.done $0x0  }
0x10c: {  	s26 =	smov.u32 s30;
	s30 =	rddreg [dreg:$0xe];
	[sflag:s12] =	ssyncadd.s32 $0xFFFFFFB0  }
0x10d: {  	[hbm4b:s30+s8] =	stream.linear.scatter [tilespmem:s13], [sflag:$0x1], $0x50, $0x38;
	[tilespmem:$0x19400] =	vst v63  }
0x10e: {  	_ =	swait.ge [sflag:s12], $0x50  }
0x10f: {  	[sflag:s12] =	ssyncset.done $0x0  }
0x110: {  	s21 =	rddreg [dreg:$0x16];
	[sflag:s12] =	ssyncadd.s32 $0xFFFFFFB0  }
0x111: {  	[tilespmem:s11], [sflag:$0x1] =	stream.linear.gather [spmem:s21], $0x2800, $0x38;
	[tilespmem:$0x19400] =	vst v63  }
0x112: {  	_ =	swait.ge [sflag:s12], $0x2800  }
0x113: {  	[sflag:s12] =	ssyncset.done $0x0  }
0x114: {  	s22 =	rddreg [dreg:$0x7];
	[sflag:s12] =	ssyncadd.s32 $0xFFFFD800  }
0x115: {  	[hbm4b:s22+s8] =	stream.linear.scatter [tilespmem:s11], [sflag:$0x1], $0x2800, $0x38;
	[tilespmem:$0x19400] =	vst v63  }
0x116: {  	_ =	swait.ge [sflag:s12], $0x2800  }
0x117: {  	[sflag:s12] =	ssyncset.done $0x0  }
0x118: {  	s23 =	rddreg [dreg:$0x17];
	[sflag:s12] =	ssyncadd.s32 $0xFFFFD800  }
0x119: {  	[tilespmem:s13], [sflag:$0x1] =	stream.linear.gather [spmem:s23], $0x50, $0x38;
	[tilespmem:$0x19400] =	vst v63  }
0x11a: {  	_ =	swait.ge [sflag:s12], $0x50  }
0x11b: {  	[sflag:s12] =	ssyncset.done $0x0  }
0x11c: {  	s28 =	rddreg [dreg:$0xf];
	[sflag:s12] =	ssyncadd.s32 $0xFFFFFFB0  }
0x11d: {  	[hbm4b:s28+s8] =	stream.linear.scatter [tilespmem:s13], [sflag:$0x1], $0x50, $0x38;
	[tilespmem:$0x19400] =	vst v63  }
0x11e: {  	_ =	swait.ge [sflag:s12], $0x50  }
0x11f: {  	[sflag:s12] =	ssyncset.done $0x0  }
0x120: {  	s29 =	rddreg [dreg:$0x18];
	[sflag:s12] =	ssyncadd.s32 $0xFFFFFFB0  }
0x121: {  	[tilespmem:s11], [sflag:$0x1] =	stream.linear.gather [spmem:s29], $0x2800, $0x38;
	[tilespmem:$0x19400] =	vst v63  }
0x122: {  	_ =	swait.ge [sflag:s12], $0x2800  }
0x123: {  	[sflag:s12] =	ssyncset.done $0x0  }
0x124: {  	s30 =	rddreg [dreg:$0x8];
	[sflag:s12] =	ssyncadd.s32 $0xFFFFD800  }
0x125: {  	[hbm4b:s30+s8] =	stream.linear.scatter [tilespmem:s11], [sflag:$0x1], $0x2800, $0x38;
	[tilespmem:$0x19400] =	vst v63  }
0x126: {  	_ =	swait.ge [sflag:s12], $0x2800  }
0x127: {  	[sflag:s12] =	ssyncset.done $0x0  }
0x128: {  	s21 =	rddreg [dreg:$0x19];
	[sflag:s12] =	ssyncadd.s32 $0xFFFFD800  }
0x129: {  	[tilespmem:s13], [sflag:$0x1] =	stream.linear.gather [spmem:s21], $0x50, $0x38;
	[tilespmem:$0x19400] =	vst v63  }
0x12a: {  	_ =	swait.ge [sflag:s12], $0x50  }
0x12b: {  	[sflag:s12] =	ssyncset.done $0x0  }
0x12c: {  	s22 =	rddreg [dreg:$0x10];
	[sflag:s12] =	ssyncadd.s32 $0xFFFFFFB0  }
0x12d: {  	[hbm4b:s22+s8] =	stream.linear.scatter [tilespmem:s13], [sflag:$0x1], $0x50, $0x38;
	[tilespmem:$0x19400] =	vst v63  }
0x12e: {  	_ =	swait.ge [sflag:s12], $0x50  }
0x12f: {  	[sflag:s12] =	ssyncset.done $0x0  }
0x130: {  	s23 =	rddreg [dreg:$0x1a];
	[sflag:s12] =	ssyncadd.s32 $0xFFFFFFB0  }
0x131: {  	[tilespmem:s11], [sflag:$0x1] =	stream.linear.gather [spmem:s23], $0x2800, $0x38;
	[tilespmem:$0x19400] =	vst v63  }
0x132: {  	_ =	swait.ge [sflag:s12], $0x2800  }
0x133: {  	[sflag:s12] =	ssyncset.done $0x0  }
0x134: {  	s28 =	rddreg [dreg:$0x9];
	[sflag:s12] =	ssyncadd.s32 $0xFFFFD800  }
0x135: {  	[hbm4b:s28+s8] =	stream.linear.scatter [tilespmem:s11], [sflag:$0x1], $0x2800, $0x38;
	[tilespmem:$0x19400] =	vst v63  }
0x136: {  	_ =	swait.ge [sflag:s12], $0x2800  }
0x137: {  	[sflag:s12] =	ssyncset.done $0x0  }
0x138: {  	[sflag:s12] =	ssyncadd.s32 $0xFFFFD800  }
0x139: {  	[tilespmem:s13], [sflag:$0x1] =	stream.linear.gather [spmem:s31], $0x50, $0x38;
	[tilespmem:$0x19400] =	vst v63  }
0x13a: {  	_ =	swait.ge [sflag:s12], $0x50  }
0x13b: {  	[sflag:s12] =	ssyncset.done $0x0  }
0x13c: {  	s29 =	rddreg [dreg:$0x11];
	[sflag:s12] =	ssyncadd.s32 $0xFFFFFFB0  }
0x13d: {  	[hbm4b:s29+s8] =	stream.linear.scatter [tilespmem:s13], [sflag:$0x1], $0x50, $0x38;
	[tilespmem:$0x19400] =	vst v63  }
0x13e: {  	_ =	swait.ge [sflag:s12], $0x50  }
0x13f: {  	[sflag:s12] =	ssyncset.done $0x0  }
0x140: {  	[sflag:s12] =	ssyncadd.s32 $0xFFFFFFB0  }
0x141: {  	[tilespmem:s11], [sflag:$0x1] =	stream.linear.gather [spmem:s18], $0x2800, $0x38;
	[tilespmem:$0x19400] =	vst v63  }
0x142: {  	_ =	swait.ge [sflag:s12], $0x2800  }
0x143: {  	[sflag:s12] =	ssyncset.done $0x0  }
0x144: {  	s30 =	rddreg [dreg:$0xa];
	[sflag:s12] =	ssyncadd.s32 $0xFFFFD800  }
0x145: {  	[hbm4b:s30+s8] =	stream.linear.scatter [tilespmem:s11], [sflag:$0x1], $0x2800, $0x38;
	[tilespmem:$0x19400] =	vst v63  }
0x146: {  	_ =	swait.ge [sflag:s12], $0x2800  }
0x147: {  	[sflag:s12] =	ssyncset.done $0x0  }
0x148: {  	[sflag:s12] =	ssyncadd.s32 $0xFFFFD800  }
0x149: {  	[tilespmem:s13], [sflag:$0x1] =	stream.linear.gather [spmem:s0], $0x50, $0x38;
	[tilespmem:$0x19400] =	vst v63  }
0x14a: {  	_ =	swait.ge [sflag:s12], $0x50  }
0x14b: {  	[sflag:s12] =	ssyncset.done $0x0  }
0x14c: {  	s21 =	rddreg [dreg:$0x12];
	[sflag:s12] =	ssyncadd.s32 $0xFFFFFFB0  }
0x14d: {  	[hbm4b:s21+s8] =	stream.linear.scatter [tilespmem:s13], [sflag:$0x1], $0x50, $0x38;
	[tilespmem:$0x19400] =	vst v63  }
0x14e: {  	_ =	swait.ge [sflag:s12], $0x50  }
0x14f: {  	[sflag:s12] =	ssyncset.done $0x0  }
0x150: {  	[sflag:s12] =	ssyncadd.s32 $0xFFFFFFB0  }
0x151: {  	[tilespmem:s11], [sflag:$0x1] =	stream.linear.gather [spmem:s1], $0x2800, $0x38;
	[tilespmem:$0x19400] =	vst v63  }
0x152: {  	_ =	swait.ge [sflag:s12], $0x2800  }
0x153: {  	[sflag:s12] =	ssyncset.done $0x0  }
0x154: {  	s22 =	rddreg [dreg:$0xb];
	[sflag:s12] =	ssyncadd.s32 $0xFFFFD800  }
0x155: {  	[hbm4b:s22+s8] =	stream.linear.scatter [tilespmem:s11], [sflag:$0x1], $0x2800, $0x38;
	[tilespmem:$0x19400] =	vst v63  }
0x156: {  	_ =	swait.ge [sflag:s12], $0x2800  }
0x157: {  	[sflag:s12] =	ssyncset.done $0x0  }
0x158: {  	[sflag:s12] =	ssyncadd.s32 $0xFFFFD800  }
0x159: {  	[tilespmem:s13], [sflag:$0x1] =	stream.linear.gather [spmem:s2], $0x50, $0x38;
	[tilespmem:$0x19400] =	vst v63  }
0x15a: {  	_ =	swait.ge [sflag:s12], $0x50  }
0x15b: {  	[sflag:s12] =	ssyncset.done $0x0  }
0x15c: {  	s23 =	rddreg [dreg:$0x13];
	[sflag:s12] =	ssyncadd.s32 $0xFFFFFFB0  }
0x15d: {  	[hbm4b:s23+s8] =	stream.linear.scatter [tilespmem:s13], [sflag:$0x1], $0x50, $0x38;
	[tilespmem:$0x19400] =	vst v63  }
0x15e: {  	_ =	swait.ge [sflag:s12], $0x50  }
0x15f: {  	[sflag:s12] =	ssyncset.done $0x0  }
0x160: {  	[sflag:s12] =	ssyncadd.s32 $0xFFFFFFB0  }
0x161: {  	[tilespmem:s11], [sflag:$0x1] =	stream.linear.gather [spmem:s3], $0x2800, $0x38;
	[tilespmem:$0x19400] =	vst v63  }
0x162: {  	_ =	swait.ge [sflag:s12], $0x2800  }
0x163: {  	[sflag:s12] =	ssyncset.done $0x0  }
0x164: {  	s28 =	rddreg [dreg:$0xc];
	[sflag:s12] =	ssyncadd.s32 $0xFFFFD800  }
0x165: {  	[hbm4b:s28+s8] =	stream.linear.scatter [tilespmem:s11], [sflag:$0x1], $0x2800, $0x38;
	[tilespmem:$0x19400] =	vst v63  }
0x166: {  	_ =	swait.ge [sflag:s12], $0x2800  }
0x167: {  	[sflag:s12] =	ssyncset.done $0x0  }
0x168: {  	[sflag:s12] =	ssyncadd.s32 $0xFFFFD800  }
0x169: {  	[tilespmem:s13], [sflag:$0x1] =	stream.linear.gather [spmem:s4], $0x50, $0x38;
	[tilespmem:$0x19400] =	vst v63  }
0x16a: {  	_ =	swait.ge [sflag:s12], $0x50  }
0x16b: {  	[sflag:s12] =	ssyncset.done $0x0  }
0x16c: {  	s29 =	rddreg [dreg:$0x14];
	[sflag:s12] =	ssyncadd.s32 $0xFFFFFFB0  }
0x16d: {  	[hbm4b:s29+s8] =	stream.linear.scatter [tilespmem:s13], [sflag:$0x1], $0x50, $0x38;
	[tilespmem:$0x19400] =	vst v63  }
0x16e: {  	_ =	swait.ge [sflag:s12], $0x50  }
0x16f: {  	s20 =	sadd.s32 $0x1, s20;
	s30 =	rddreg [dreg:$0x1b]  }
0x170: {  	p0 =	sne.s32 s20, s30  }
.Ltmp2:
0x171: {  	_ = 	snop;
	(pc) =	sbr.rel @p0 .LBB2_1-.Ltmp2, $3  }
0x172: {  	_ =	sdelay $0x1  }
0x173: {  	[sflag:s12] =	ssyncset.done $0x0  }
0x174: {  	[sflag:s12] =	ssyncadd.s32 $0xFFFFFFB0  }
0x175: {  	_ =	sfence.sel $0x180000  }
0x176: {  	[bflag:$0x0] =	sbarrier.arrive $0xFFFF  }
0x177: {  	_ =	strace $0x9000004A  }
0x178: {  	s0 =	stileid.u32;
	[bflag:$0x2] =	sbarrier.arrive $0xFFFF  }
0x179: {  	p0 =	sne.s32 s0, $0x0;
	s0 =	rddreg [dreg:$0x4]  }
0x17a: {  	s0 =	sadd.s32 @!p0 $0x100000, s0  }
0x17b: {  	[sflag:s0] =	ssyncadd.tile.s32 @!p0 $0x1;
	_ =	shalt  }
.Lfunc_end2:
_tile_overlayer_lowered:
.L_overlay_start_2:
0x17c: {  	(tag) =	ssettag $0x2  }
0x17d: {  	s0 =	rddreg [dreg:$0x0];
	s2 =	stileid.u32  }
0x17e: {  	s1 =	rddreg [dreg:$0x1];
	p0 =	sne.s32 s2, $0x0  }
0x17f: {  	s3 =	rddreg [dreg:$0x2];
	[bflag:$0x3] =	sbarrier.arrive $0xFFFF;
	s2 =	simm.s32 @!p0 $0x1C01  }
0x180: {  	[timem:s3], [sflag:s2] =	dma.local @!p0 [hbm:s0], s1  }
0x181: {  	s0 =	simm.s32 @!p0 $0x1  }
0x182: {  	_ =	swait.ge @!p0 [sflag:s0], s1  }
0x183: {  	s1 =	ssub.s32 @!p0 $0x0, s1;
	[sflag:s0] =	ssyncset.done @!p0 $0x0  }
0x184: {  	[sflag:s0] =	ssyncadd.s32 @!p0 s1  }
0x185: {  	[bflag:$0x3] =	sbarrier.arrive $0xFFFF  }
0x186: {  	_ =	shalt  }

// kernel: kernel.7.cloned.1.call-start
scs
__scs_entry_jumppad:
0x0: {  	(pc) =	sbr.rel $0x88, $3  }
0x1: {  	(tag) =	ssettag $0x0;
	lr =	simm.s32 $0x1  }
0x2: {  	[smem:$0x3F96] =	sst lr;
	_ =	strace $0xD0000000  }
0x3: {  	_ = 	snop  }
0x4: {  	_ = 	snop  }
0x5: {  	_ = 	snop  }
0x6: {  	_ = 	snop  }
0x7: {  	_ = 	snop  }
__scs_overlays_trampoline_lowered:
0x8: {  	[smem:$0x3FA5] =	sst s0  }
0x9: {  	[smem:$0x3FA6] =	sst s1  }
0xa: {  	[smem:$0x3FA7] =	sst s2  }
0xb: {  	[smem:$0x3FA8] =	sst s3  }
0xc: {  	[smem:$0x3FA9] =	sst s4  }
0xd: {  	[smem:$0x3FAA] =	sst s5  }
0xe: {  	[smem:$0x3FAB] =	sst s6  }
0xf: {  	[smem:$0x3FAC] =	sst s7  }
0x10: {  	[smem:$0x3FAD] =	sst s8  }
0x11: {  	[smem:$0x3FAE] =	sst s9;
	s0 =	simm.s32 @!p0 $0x0  }
0x12: {  	s1 =	sld [smem:$0x3F94];
	s0 =	simm.s32 @p0 $0x1  }
0x13: {  	[smem:$0x3FAF] =	sst s0;
	s0 =	simm.s32 @!p1 $0x0  }
0x14: {  	s2 =	sld [smem:$0x3F93];
	s0 =	simm.s32 @p1 $0x1  }
0x15: {  	[smem:$0x3FB0] =	sst s0;
	s0 =	simm.s32 @!p2 $0x0  }
0x16: {  	s3 =	sld [smem:$0x3FDB];
	s0 =	simm.s32 @p2 $0x1  }
0x17: {  	s4 =	simm.s32 $0x1BF5;
	[smem:$0x3FB2] =	sst s0  }
0x18: {  	s0 =	sld [smem:$0x3F95];
	_ =	swait.ge [sflag:s4], $0x0  }
0x19: {  	s7 =	sld [smem:$0x3F96]  }
0x1a: {  	s8 =	sadd.s32 $0xFFFFE003, lr  }
0x1b: {  	s9 =	sadd.s32 $0xFFFFFEF7, lr;
	s5 =	simm.s32 $0xFFFFFFFF;
	p2 =	slt.u32 s8, $0xFFFFF086  }
0x1c: {  	p1 =	slt.u32 s9, $0xF7A;
	s5 =	simm.s32 @!p2 $0x0  }
0x1d: {  	s5 =	simm.s32 @p1 $0x1;
	p0 =	seq.s32 s7, s2  }
0x1e: {  	s7 =	smul.u32 @!p0 $0xF7A, s2;
	p2 =	seq.s32 @!p0 s5, $0x0  }
0x1f: {  	s9 =	smul.u32 $0xF7A, s1;
	s8 =	simm.s32 @!p0 $0x1BF5;
	p2 =	por !p2, p0  }
0x20: {  	[sflag:s8] =	ssyncset.s32 @!p0 $0xFFFFF086;
	s6 =	sadd.s32 @!p0 s3, s7;
	s7 =	simm.s32 @!p0 $0x108  }
0x21: {  	s3 =	sadd.s32 s3, s9;
	s6 =	sadd.s32 @!p0 $0x88, s6;
	s7 =	simm.s32 @p2 $0x1082  }
0x22: {  	[simem:s7], [sflag:s8] =	dma.local @!p0 [hbm:s6], $0xF7A  }
0x23: {  	s9 =	sor.u32 $0xD0000000, s2;
	s6 =	simm.s32 $0x108;
	_ =	swait.ge @!p0 [sflag:s8], $0x0  }
0x24: {  	s3 =	sadd.s32 $0x88, s3;
	s6 =	simm.s32 @!p1 $0x1082;
	[sflag:s4] =	ssyncset.s32 $0xFFFFF086  }
0x25: {  	[simem:s6], [sflag:s4] =	dma.local [hbm:s3], $0xF7A  }
0x26: {  	[smem:$0x3F96] =	sst s1;
	(tag) =	ssettag s2;
	_ =	strace s9  }
0x27: {  	s1 =	sld [smem:$0x3FA6]  }
0x28: {  	s2 =	sld [smem:$0x3FA7]  }
0x29: {  	s4 =	sld [smem:$0x3FA9]  }
0x2a: {  	p0 =	seq.s32 s5, $0x0;
	s5 =	sld [smem:$0x3FAA]  }
0x2b: {  	s6 =	sld [smem:$0x3FAB]  }
0x2c: {  	s7 =	sld [smem:$0x3FAC]  }
0x2d: {  	s3 =	simm.s32 $0x108;
	s8 =	sld [smem:$0x3FAD]  }
0x2e: {  	s3 =	simm.s32 @!p0 $0x1082;
	s9 =	sld [smem:$0x3FAE]  }
0x2f: {  	lr =	sadd.s32 s0, s3;
	s0 =	sld [smem:$0x3FA5]  }
0x30: {  	s3 =	sld [smem:$0x3FA8]  }
0x31: {  	[smem:$0x3FB1] =	sst s10  }
0x32: {  	s10 =	sld [smem:$0x3FAF];
	_ =	sdelay $0x3  }
0x33: {  	p0 =	seq.s32 s10, $0x1;
	s10 =	sld [smem:$0x3FB1];
	_ =	sdelay $0x3  }
0x34: {  	[smem:$0x3FB1] =	sst s10  }
0x35: {  	s10 =	sld [smem:$0x3FB0];
	_ =	sdelay $0x3  }
0x36: {  	p1 =	seq.s32 s10, $0x1;
	s10 =	sld [smem:$0x3FB1];
	_ =	sdelay $0x3  }
0x37: {  	[smem:$0x3FB1] =	sst s10  }
0x38: {  	s10 =	sld [smem:$0x3FB2]  }
0x39: {  	_ = 	snop;
	(pc) =	sbr.ind lr, $3  }
0x3a: {  	_ = 	snop  }
0x3b: {  	_ = 	snop  }
0x3c: {  	p2 =	seq.s32 s10, $0x1;
	s10 =	sld [smem:$0x3FB1]  }
0x3d: {  	_ =	shalt  }
0x3e: {  	_ =	shalt  }
0x3f: {  	_ =	shalt  }
0x40: {  	_ =	shalt  }
0x41: {  	_ =	shalt  }
0x42: {  	_ =	shalt  }
0x43: {  	_ =	shalt  }
0x44: {  	_ =	shalt  }
0x45: {  	_ =	shalt  }
0x46: {  	_ =	shalt  }
0x47: {  	_ =	shalt  }
0x48: {  	_ =	shalt  }
0x49: {  	_ =	shalt  }
0x4a: {  	_ =	shalt  }
0x4b: {  	_ =	shalt  }
0x4c: {  	_ =	shalt  }
0x4d: {  	_ =	shalt  }
0x4e: {  	_ =	shalt  }
0x4f: {  	_ =	shalt  }
0x50: {  	_ =	shalt  }
0x51: {  	_ =	shalt  }
0x52: {  	_ =	shalt  }
0x53: {  	_ =	shalt  }
0x54: {  	_ =	shalt  }
0x55: {  	_ =	shalt  }
0x56: {  	_ =	shalt  }
0x57: {  	_ =	shalt  }
0x58: {  	_ =	shalt  }
0x59: {  	_ =	shalt  }
0x5a: {  	_ =	shalt  }
0x5b: {  	_ =	shalt  }
0x5c: {  	_ =	shalt  }
0x5d: {  	_ =	shalt  }
0x5e: {  	_ =	shalt  }
0x5f: {  	_ =	shalt  }
0x60: {  	_ =	shalt  }
0x61: {  	_ =	shalt  }
0x62: {  	_ =	shalt  }
0x63: {  	_ =	shalt  }
0x64: {  	_ =	shalt  }
0x65: {  	_ =	shalt  }
0x66: {  	_ =	shalt  }
0x67: {  	_ =	shalt  }
0x68: {  	_ =	shalt  }
0x69: {  	_ =	shalt  }
0x6a: {  	_ =	shalt  }
0x6b: {  	_ =	shalt  }
0x6c: {  	_ =	shalt  }
0x6d: {  	_ =	shalt  }
0x6e: {  	_ =	shalt  }
0x6f: {  	_ =	shalt  }
0x70: {  	_ =	shalt  }
0x71: {  	_ =	shalt  }
0x72: {  	_ =	shalt  }
0x73: {  	_ =	shalt  }
0x74: {  	_ =	shalt  }
0x75: {  	_ =	shalt  }
0x76: {  	_ =	shalt  }
0x77: {  	_ =	shalt  }
0x78: {  	_ =	shalt  }
0x79: {  	_ =	shalt  }
0x7a: {  	_ =	shalt  }
0x7b: {  	_ =	shalt  }
0x7c: {  	_ =	shalt  }
0x7d: {  	_ =	shalt  }
0x7e: {  	_ =	shalt  }
0x7f: {  	_ =	shalt  }
0x80: {  	_ =	shalt  }
0x81: {  	_ =	shalt  }
0x82: {  	_ =	shalt  }
0x83: {  	_ =	shalt  }
0x84: {  	_ =	shalt  }
0x85: {  	_ =	shalt  }
0x86: {  	_ =	shalt  }
0x87: {  	_ =	shalt  }
.Lfunc_end0:
.L_simem_size_0:
called_computation_lowered:
.L_overlay_start_0:
0x88: {  	s2 =	sld [smem:$0x3FD9]  }
0x89: {  	s3 =	sld [smem:$0x3FFE];
	_ =	sdelay $0x1  }
0x8a: {  	s1 =	srdreg.scid  }
0x8b: {  	s0 =	sand.u32 $0x1, s1  }
0x8c: {  	s14 =	sshll.u32 s0, $0xA;
	s2 =	sadd.s32 s3, s2  }
0x8d: {  	s2 =	sadd.s32 s2, s14  }
0x8e: {  	[smem:$0x3FBD] =	sst s2  }
0x8f: {  	_ = 	snop  }
0x90: {  	s2 =	sld [smem:$0x3FD0];
	_ =	sdelay $0x2  }
0x91: {  	s15 =	simm.s32 $0xA;
	s4 =	simm.s32 $0x10  }
0x92: {  	[smem:s4], [sflag:s15] =	dma.local [hbm:s2], $0x1  }
0x93: {  	_ =	swait.eq [sflag:s15], $0x1  }
0x94: {  	[sflag:s15] =	ssyncset.done $0x0  }
0x95: {  	s16 =	sld [smem:$0x10];
	[sflag:s15] =	ssyncadd.s32 $0xFFFFFFFF  }
0x96: {  	s17 =	sld [smem:$0x11];
	(tm) =	ssettm $0x1  }
0x97: {  	s18 =	sld [smem:$0x3FFB];
	_ =	sdelay $0x3  }
0x98: {  	_ =	strace s18  }
0x99: {  	s4 =	sld [smem:$0x3FFC];
	_ =	sdelay $0x3  }
0x9a: {  	_ =	strace s4  }
0x9b: {  	s4 =	sld [smem:$0x3FFD];
	_ =	sdelay $0x3  }
0x9c: {  	_ =	strace s4  }
0x9d: {  	_ =	strace $0x8FFFFFFF  }
0x9e: {  	s19 =	sld [smem:$0x3FDB];
	_ =	sdelay $0x1  }
0x9f: {  	s5 =	simm.s32 $_scs_section_size  }
0xa0: {  	s6 =	simm.s32 $_size__tile_overlayer_lowered;
	s7 =	simm.s32 $_tile_overlayer_lowered  }
0xa1: {  	s22 =	simm.s32 $0x1BFF;
	s21 =	sshll.u32 s7, $0x1;
	s4 =	sadd.s32 s5, s19  }
0xa2: {  	s8 =	simm.s32 $0x0;
	s20 =	sshll.u32 s6, $0x1;
	s6 =	sadd.s32 s21, s4  }
0xa3: {  	[timem:s8], [sflag:s22] =	dma.local [hbm:s6], s20  }
0xa4: {  	_ =	swait.ge [sflag:s22], s20  }
0xa5: {  	s5 =	ssub.s32 $0x0, s20;
	[sflag:s22] =	ssyncset.done $0x0  }
0xa6: {  	[sflag:s22] =	ssyncadd.s32 s5;
	_ =	sdelay $0x1  }
0xa7: {  	s23 =	simm.s32 $0x1B8B  }
0xa8: {  	_ =	swait.ge [sflag:s23], $0x1  }
0xa9: {  	[sflag:s23] =	ssyncset.done $0x0  }
0xaa: {  	s25 =	simm.s32 $0x1B8E;
	s24 =	sld [smem:$0x3FFE];
	[sflag:s23] =	ssyncadd.s32 $0xFFFFFFFF  }
0xab: {  	s26 =	simm.s32 $execute0_lowered;
	[smem:$0x3FD2] =	sst s25  }
0xac: {  	s6 =	sshll.u32 s26, $0x1;
	_ =	strace $0x80000046;
	[dreg:$0x1] =	wrdreg $0xFFFFFFFF  }
0xad: {  	s28 =	simm.s32 $_size_execute0_lowered;
	s4 =	sadd.s32 s4, s6;
	[dreg:$0x0] =	wrdreg $0x0  }
0xae: {  	s6 =	sshll.u32 s28, $0x1;
	[dreg:$0x2] =	wrdreg s4  }
0xaf: {  	[dreg:$0x3] =	wrdreg s6  }
0xb0: {  	[dreg:$0x4] =	wrdreg $0xC0  }
0xb1: {  	_ =	task [dreg:s8], $0x5FFFF  }
0xb2: {  	[dreg:$0x1] =	wrdreg $0xFFFFFFFF  }
0xb3: {  	[dreg:$0x0] =	wrdreg $0x60  }
0xb4: {  	[dreg:$0x2] =	wrdreg s16  }
0xb5: {  	[dreg:$0x3] =	wrdreg s17  }
0xb6: {  	[dreg:$0x4] =	wrdreg s24  }
0xb7: {  	[dreg:$0x5] =	wrdreg $0x9  }
0xb8: {  	_ =	task.clear_ibuf [dreg:s8], $0x6FFFF;
	_ =	strace $0x90000046  }
0xb9: {  	s29 =	simm.s32 $0x9;
	_ =	strace $0x80000048  }
0xba: {  	_ =	swait.ge [sflag:s29], $0x1  }
0xbb: {  	[sflag:s29] =	ssyncadd.s32 $0xFFFFFFFF  }
0xbc: {  	_ =	strace $0x90000048  }
0xbd: {  	_ =	sfence  }
0xbe: {  	s30 =	sld [smem:$0x0];
	_ =	sdelay $0x2  }
0xbf: {  	s31 =	sshll.u32 s1, $0xD;
	s1 =	sshrl.u32 s1, $0x2  }
0xc0: {  	s3 =	sand.u32 $0x4000, s31;
	s1 =	sadd.s32 s1, s30  }
0xc1: {  	s0 =	sor.u32 s3, s0;
	s1 =	sshll.u32 s1, $0x11  }
0xc2: {  	s0 =	sor.u32 s1, s0  }
0xc3: {  	s0 =	sadd.s32 $0x8F2B, s0  }
0xc4: {  	[sflag:s0] =	ssyncadd.remote.s32 $0x1  }
0xc5: {  	_ =	sfence.sel $0xFFFF  }
0xc6: {  	[dreg:$0x0] =	wrdreg $0xFFFFFFFF;
	(pc) =	sbr.abs _section_cstart, $3  }
0xc7: {  	[dreg:$0x1] =	wrdreg $0xFFFFFFFF  }
0xc8: {  	_ =	task.clear_ibuf [dreg:s8], $0x2FFFF;
	_ =	strace $0x9FFFFFFF  }
0xc9: {  	(tm) =	ssettm $0x7FFFFFFF  }
tec
execute0_lowered:
.L_overlay_start_1:
0x0: {  	(tag) =	ssettag $0x1  }
0x1: {  	s1 =	rddreg [dreg:$0x0]  }
0x2: {  	s2 =	rddreg [dreg:$0x1]  }
0x3: {  	s7 =	rddreg [dreg:$0x2]  }
0x4: {  	s0 =	rddreg [dreg:$0x3]  }
0x5: {  	s4 =	simm.s32 $0x0;
	s5 =	srdreg.scid;
	s3 =	stileid.u32  }
0x6: {  	s12 =	simm.s32 $0x50;
	s13 =	simm.s32 $0x100;
	s14 =	simm.s32 $0x2900  }
0x7: {  	s15 =	simm.s32 $0x1;
	s16 =	simm.s32 $0x2;
	s17 =	simm.s32 $0x0  }
0x8: {  	[smem:$0x7FF] =	sst s4;
	s8 =	sand.u32 $0x1, s5;
	s5 =	sadd.s32 $0xC800, s7  }
0x9: {  	s10 =	sshll.u32 s3, $0x1;
	s6 =	sadd.s32 $0x2A00, s7;
	s9 =	ssub.s32 $0x2, s8  }
0xa: {  	s7 =	sadd.s32 $0x16600, s7;
	_ =	strace $0x80000047;
	s11 =	sshrl.u32 s9, $0x1  }
0xb: {  	s8 =	sor.u32 s8, s10;
	s10 =	simm.s32 $0x3;
	s9 =	ssub.s32 s9, s11  }
0xc: {  	s8 =	smul.u32 $0x2710, s8;
	s11 =	simm.s32 $0x80;
	s9 =	smax.u32 s9, $0x1  }
.LBB2_1:
0xd: {  	s18 =	simm.s32 $0x0  }
.LBB2_2:
0xe: {  	s19 =	smul.u32 $0x50, s18;
	_ =	sdelay $0x1  }
0xf: {  	s19 =	sadd.s32 s8, s19  }
0x10: {  	s20 =	sshrl.u32 s19, $0x3  }
0x11: {  	s22 =	simm.s32 $0x0;
	s21 =	sadd.s32 s5, s20  }
0x12: {  	[tilespmem:s22], [sflag:$0x3] =	stream.linear.gather [hbm4b:s21+s22], $0x50, $0x38;
	[tilespmem:$0x5100] =	vst v63  }
0x13: {  	_ =	swait.ge [sflag:s10], $0x50  }
0x14: {  	[sflag:s10] =	ssyncset.done $0x0  }
0x15: {  	s20 =	sadd.s32 s6, s20;
	[sflag:s10] =	ssyncadd.s32 $0xFFFFFFB0  }
0x16: {  	[tilespmem:s11], [sflag:$0x3] =	stream.linear.gather [hbm4b:s20+s22], $0x50, $0x38;
	[tilespmem:$0x5100] =	vst v63  }
0x17: {  	_ =	swait.ge [sflag:s10], $0x50  }
0x18: {  	[sflag:s10] =	ssyncset.done $0x0  }
0x19: {  	[sflag:s10] =	ssyncadd.s32 $0xFFFFFFB0  }
0x1a: {  	[tilespmem:s13], [sflag:$0x1] =	stream.indirect.gather [hbm4b:s1+s12], $0x80, s22, s12, $0xb8;
	[tilespmem:$0x5100] =	vst v63  }
0x1b: {  	_ = 	snop  }
0x1c: {  	[tilespmem:s14], [sflag:$0x2] =	stream.indirect.gather [hbm4b:s2+s12], $0x80, s11, s12, $0xb8;
	[tilespmem:$0x5100] =	vst v63  }
0x1d: {  	_ =	swait.ge [sflag:s15], $0x2800  }
0x1e: {  	[sflag:s15] =	ssyncset.done $0x0  }
0x1f: {  	[sflag:s15] =	ssyncadd.s32 $0xFFFFD800  }
0x20: {  	_ =	swait.ge [sflag:s16], $0x2800  }
0x21: {  	[sflag:s16] =	ssyncset.done $0x0  }
0x22: {  	s20 =	simm.s32 $0x0;
	[sflag:s16] =	ssyncadd.s32 $0xFFFFD800  }
0x23: {  	v7 =	vld [tilespmem:s20+$0x2900]  }
0x24: {  	v11 =	vld [tilespmem:s20+$0x2910]  }
0x25: {  	v5 =	vld [tilespmem:s20+$0x2920]  }
0x26: {  	v4 =	vld [tilespmem:s20+$0x2930]  }
0x27: {  	v3 =	vld [tilespmem:s20+$0x2940]  }
0x28: {  	v2 =	vld [tilespmem:s20+$0x2950]  }
0x29: {  	v1 =	vld [tilespmem:s20+$0x2960]  }
0x2a: {  	v0 =	vld [tilespmem:s20+$0x2970]  }
0x2b: {  	v12 =	vld [tilespmem:s20+$0x100]  }
0x2c: {  	v13 =	vld [tilespmem:s20+$0x110]  }
0x2d: {  	v10 =	vld [tilespmem:s20+$0x120]  }
0x2e: {  	v9 =	vld [tilespmem:s20+$0x130]  }
0x2f: {  	v8 =	vld [tilespmem:s20+$0x140]  }
0x30: {  	v6 =	vld [tilespmem:s20+$0x150];
	v12 =	vadd.f32 v7, v12  }
0x31: {  	s21 =	simm.s32 $0x200;
	v11 =	vadd.f32 v11, v13;
	v7 =	vld [tilespmem:s20+$0x160]  }
.LBB2_3:
0x32: {  	s22 =	sshra.s32 s21, $0x2;
	p0 =	sne.s32 s21, $0x9E00;
	[tilespmem:s20+$0x100] =	vst v12;
	v5 =	vadd.f32 v5, v10;
	v10 =	vld [tilespmem:s20+$0x170]  }
0x33: {  	v12 =	vld [tilespmem:s22+$0x2900];
	[tilespmem:s20+$0x110] =	vst v11;
	v4 =	vadd.f32 v4, v9  }
0x34: {  	v11 =	vld [tilespmem:s22+$0x2910];
	[tilespmem:s20+$0x120] =	vst v5;
	v3 =	vadd.f32 v3, v8  }
0x35: {  	v5 =	vld [tilespmem:s22+$0x2920];
	[tilespmem:s20+$0x130] =	vst v4;
	v2 =	vadd.f32 v2, v6  }
0x36: {  	v4 =	vld [tilespmem:s22+$0x2930];
	[tilespmem:s20+$0x140] =	vst v3;
	v1 =	vadd.f32 v1, v7  }
0x37: {  	v3 =	vld [tilespmem:s22+$0x2940];
	[tilespmem:s20+$0x150] =	vst v2;
	v0 =	vadd.f32 v0, v10  }
0x38: {  	v2 =	vld [tilespmem:s22+$0x2950];
	[tilespmem:s20+$0x160] =	vst v1  }
0x39: {  	v1 =	vld [tilespmem:s22+$0x2960];
	[tilespmem:s20+$0x170] =	vst v0;
	s20 =	smov.u32 s22  }
0x3a: {  	v0 =	vld [tilespmem:s20+$0x2970]  }
0x3b: {  	v6 =	vld [tilespmem:s20+$0x100]  }
0x3c: {  	v7 =	vld [tilespmem:s20+$0x110]  }
.Ltmp0:
0x3d: {  	v10 =	vld [tilespmem:s20+$0x120];
	(pc) =	sbr.rel @p0 .LBB2_3-.Ltmp0, $4  }
0x3e: {  	v9 =	vld [tilespmem:s20+$0x130]  }
0x3f: {  	v8 =	vld [tilespmem:s20+$0x140]  }
0x40: {  	v12 =	vadd.f32 v12, v6;
	v6 =	vld [tilespmem:s20+$0x150]  }
0x41: {  	s21 =	sadd.s32 $0x200, s21;
	v11 =	vadd.f32 v11, v7;
	v7 =	vld [tilespmem:s20+$0x160]  }
0x42: {  	[tilespmem:s20+$0x100] =	vst v12;
	v5 =	vadd.f32 v5, v10;
	v63 =	vld [tilespmem:s20+$0x170]  }
0x43: {  	[tilespmem:s20+$0x110] =	vst v11;
	v4 =	vadd.f32 v4, v9  }
0x44: {  	[tilespmem:s20+$0x120] =	vst v5;
	v3 =	vadd.f32 v3, v8  }
0x45: {  	[tilespmem:s20+$0x130] =	vst v4;
	v2 =	vadd.f32 v2, v6  }
0x46: {  	[tilespmem:s20+$0x140] =	vst v3;
	v1 =	vadd.f32 v1, v7  }
0x47: {  	s18 =	sadd.s32 $0x1, s18;
	[tilespmem:s20+$0x150] =	vst v2;
	v0 =	vadd.f32 v0, v63  }
0x48: {  	s19 =	sshll.u32 s19, $0x4;
	p0 =	sne.s32 s18, $0x7D;
	[tilespmem:s20+$0x160] =	vst v1  }
.Ltmp1:
0x49: {  	s19 =	sadd.s32 s7, s19;
	[tilespmem:s20+$0x170] =	vst v0;
	(pc) =	sbr.rel @p0 .LBB2_2-.Ltmp1, $4  }
0x4a: {  	[hbm4b:s19+s4] =	stream.linear.scatter [tilespmem:s13], [sflag:$0x3], $0x2800, $0x38;
	[tilespmem:$0x5100] =	vst v63  }
0x4b: {  	_ =	swait.ge [sflag:s10], $0x2800  }
0x4c: {  	[sflag:s10] =	ssyncset.done $0x0  }
0x4d: {  	[sflag:s10] =	ssyncadd.s32 $0xFFFFD800  }
0x4e: {  	s17 =	sadd.s32 $0x1, s17  }
0x4f: {  	p0 =	sne.s32 s17, s9  }
.Ltmp2:
0x50: {  	_ = 	snop;
	(pc) =	sbr.rel @p0 .LBB2_1-.Ltmp2, $1  }
0x51: {  	_ =	sdelay $0x3  }
0x52: {  	_ =	sfence.sel $0x180000  }
0x53: {  	[bflag:$0x0] =	sbarrier.arrive $0xFFFF  }
0x54: {  	p0 =	sne.s32 s3, $0x0;
	_ =	strace $0x90000047  }
0x55: {  	s0 =	sadd.s32 @!p0 $0x100000, s0;
	[bflag:$0x2] =	sbarrier.arrive $0xFFFF  }
0x56: {  	[sflag:s0] =	ssyncadd.tile.s32 @!p0 $0x1;
	_ =	shalt  }
.Lfunc_end2:
_tile_overlayer_lowered:
.L_overlay_start_2:
0x57: {  	(tag) =	ssettag $0x2  }
0x58: {  	s0 =	rddreg [dreg:$0x0];
	s2 =	stileid.u32  }
0x59: {  	s1 =	rddreg [dreg:$0x1];
	p0 =	sne.s32 s2, $0x0  }
0x5a: {  	s3 =	rddreg [dreg:$0x2];
	[bflag:$0x3] =	sbarrier.arrive $0xFFFF;
	s2 =	simm.s32 @!p0 $0x1C03  }
0x5b: {  	[timem:s3], [sflag:s2] =	dma.local @!p0 [hbm:s0], s1  }
0x5c: {  	s0 =	simm.s32 @!p0 $0x3  }
0x5d: {  	_ =	swait.ge @!p0 [sflag:s0], s1  }
0x5e: {  	s1 =	ssub.s32 @!p0 $0x0, s1;
	[sflag:s0] =	ssyncset.done @!p0 $0x0  }
0x5f: {  	[sflag:s0] =	ssyncadd.s32 @!p0 s1  }
0x60: {  	[bflag:$0x3] =	sbarrier.arrive $0xFFFF  }
0x61: {  	_ =	shalt  }

</sc_bundles>
